<compile_context>
chip_gen: v7x
topology: tpu7x:2x2x1
jax: 0.10.2.dev20260603
libtpu: 0.0.44.dev20260713+nightly
codegen_flags: <defaults>
</compile_context>

<pallas_src>
import functools

import jax
import jax.numpy as jnp
from jax import lax
from jax.experimental import pallas as pl
from jax.experimental.pallas import tpu as pltpu
from jax.experimental.pallas import tpu_sc as plsc

PRETRAIN_DIM = 128
DIM_LLM = 768
NUM_PREFIX = 1
BM = 4096


def _make_sc_gather(Bc, D):
    info = plsc.get_sparse_core_info()
    NC, NS = info.num_cores, info.num_subcores
    NW = NC * NS
    b_per_w = Bc // NW
    CH = 128
    n_ch = b_per_w // CH
    mesh = plsc.VectorSubcoreMesh(core_axis_name="c", subcore_axis_name="s")

    @functools.partial(
        pl.kernel,
        mesh=mesh,
        out_type=jax.ShapeDtypeStruct((Bc, D), jnp.float32),
        scratch_types=[
            pltpu.VMEM((b_per_w,), jnp.int32),
            pltpu.VMEM((2, CH, D), jnp.float32),
            pltpu.SemaphoreType.DMA,
            pltpu.SemaphoreType.DMA,
        ],
    )
    def gather_kernel(table_hbm, idx_hbm, out_hbm, idx_v, rows_v, gsem, osem):
        wid = lax.axis_index("s") * NC + lax.axis_index("c")
        base = wid * b_per_w
        pltpu.sync_copy(idx_hbm.at[pl.ds(base, b_per_w)], idx_v)
        gathers = [None] * n_ch
        wbacks = [None] * n_ch
        gathers[0] = pltpu.async_copy(
            table_hbm.at[idx_v.at[pl.ds(0, CH)]], rows_v.at[0], gsem
        )
        for j in range(n_ch):
            if j + 1 < n_ch:
                if j >= 1:
                    wbacks[j - 1].wait()
                gathers[j + 1] = pltpu.async_copy(
                    table_hbm.at[idx_v.at[pl.ds((j + 1) * CH, CH)]],
                    rows_v.at[(j + 1) % 2],
                    gsem,
                )
            gathers[j].wait()
            wbacks[j] = pltpu.async_copy(
                rows_v.at[j % 2], out_hbm.at[pl.ds(base + j * CH, CH)], osem
            )
        wbacks[n_ch - 1].wait()
        if n_ch >= 2:
            wbacks[n_ch - 2].wait()

    return gather_kernel


def _matmul_chunk(emb, W, b2, prev_out, row_off, M):
    Bc, K = emb.shape
    N = W.shape[0]
    bm = min(BM, Bc)
    blk_off = row_off // bm

    def _proj(emb_ref, w_ref, b_ref):
        acc = lax.dot_general(
            emb_ref[...],
            w_ref[...],
            dimension_numbers=(((1,), (1,)), ((), ())),
            preferred_element_type=jnp.float32,
        )
        return (acc + b_ref[...])[:, None, :]

    def mm_kernel(emb_ref, w_ref, b_ref, prev_ref, out_ref):
        out_ref[...] = _proj(emb_ref, w_ref, b_ref)

    def mm_kernel_first(emb_ref, w_ref, b_ref, out_ref):
        out_ref[...] = _proj(emb_ref, w_ref, b_ref)

    in_specs = [
        pl.BlockSpec((bm, K), lambda i: (i, 0)),
        pl.BlockSpec((N, K), lambda i: (0, 0)),
        pl.BlockSpec((1, N), lambda i: (0, 0)),
    ]
    out_spec = pl.BlockSpec((bm, 1, N), lambda i, _o=blk_off: (i + _o, 0, 0))
    out_shape = jax.ShapeDtypeStruct((M, 1, N), jnp.float32)
    if prev_out is None:
        return pl.pallas_call(
            mm_kernel_first,
            grid=(Bc // bm,),
            in_specs=in_specs,
            out_specs=out_spec,
            out_shape=out_shape,
        )(emb, W, b2)
    return pl.pallas_call(
        mm_kernel,
        grid=(Bc // bm,),
        in_specs=in_specs + [pl.BlockSpec(memory_space=pltpu.HBM)],
        out_specs=out_spec,
        out_shape=out_shape,
        input_output_aliases={3: 0},
    )(emb, W, b2, prev_out)


def kernel(ent_table, W, b, triple_ids):
    R, L = triple_ids.shape
    B = R * L
    D = ent_table.shape[1]
    b2 = b.reshape(1, -1)
    chunk_sizes = [16384, 16384]
    assert sum(chunk_sizes) == B
    gather_fns = {Bc: _make_sc_gather(Bc, D) for Bc in set(chunk_sizes)}
    out = None
    row_off = 0
    for Bc in chunk_sizes:
        Rc = Bc // L
        r0 = row_off // L
        ids_c = lax.slice(triple_ids, (r0, 0), (r0 + Rc, L)).reshape(-1)
        ids_c = ids_c.astype(jnp.int32)
        emb = gather_fns[Bc](ent_table, ids_c)
        out = _matmul_chunk(emb, W, b2, out, row_off, B)
        row_off += Bc
    return out

# --- scband reference (transcript-rebuilt; emitter-appended) ---
"""Pipeline reference for scband-pretrain-kgembedding-66649302499675 (READ-ONLY COPY).

The authoritative reference and input builder live on the scoring server;
editing this copy changes nothing except your own understanding.
"""

import jax, jax.numpy as jnp
import numpy as np

VOCAB = 1000000
PRETRAIN_DIM = 128
DIM_LLM = 768
NUM_PREFIX = 1

def setup_inputs(seed: int = 0) -> dict:
    key = jax.random.key(seed)
    k1, k2, k3, k4 = jax.random.split(key, 4)
    ent_table = jax.random.normal(k1, (VOCAB, PRETRAIN_DIM), dtype=jnp.float32)
    # adapter: nn.Linear(pretrain_dim, num_prefix * dim_llm)
    W = jax.random.normal(k2, (NUM_PREFIX * DIM_LLM, PRETRAIN_DIM), dtype=jnp.float32) * (1.0 / np.sqrt(PRETRAIN_DIM))
    b = jax.random.normal(k3, (NUM_PREFIX * DIM_LLM,), dtype=jnp.float32) * 0.01
    triple_ids = jax.random.randint(k4, (16384, 2), 0, VOCAB, dtype=jnp.int64 if jax.config.read('jax_enable_x64') else jnp.int32)
    return {"ent_table": ent_table, "W": W, "b": b, "triple_ids": triple_ids}

def reference(ent_table, W, b, triple_ids):
    # triple_ids.shape[1] != 3 -> else branch of the torch forward
    ent = triple_ids.reshape(-1)
    emb = jnp.take(ent_table, ent, axis=0)          # embedding lookup [B*L, pretrain_dim]
    proj = emb @ W.T + b                             # adapter Linear    [B*L, num_prefix*dim_llm]
    prefix = proj.reshape(-1, NUM_PREFIX, DIM_LLM)   # [B*L, num_prefix, dim_llm]
    return prefix

if __name__ == "__main__":
    import jax
    _d = setup_inputs()
    print(jax.jit(kernel)(*tuple(_d.values())))

</pallas_src>

<mosaic_0001>
#map = affine_map<(d0, d1) -> (0, 0)>
#map1 = affine_map<(d0, d1) -> (0)>
module attributes {stable_mosaic.version = 14 : i64} {
  func.func @gather_kernel(%arg0: i32, %arg1: i32, %arg2: memref<1000000x128xf32, #tpu.memory_space<hbm>>, %arg3: memref<16384xi32, #tpu.memory_space<hbm>>, %arg4: memref<16384x128xf32, #tpu.memory_space<hbm>>, %arg5: memref<512xi32, #tpu.memory_space<vmem>>, %arg6: memref<2x128x128xf32, #tpu.memory_space<vmem>>, %arg7: memref<!tpu.dma_semaphore, #tpu.memory_space<semaphore_mem>>, %arg8: memref<!tpu.dma_semaphore, #tpu.memory_space<semaphore_mem>>) attributes {dimension_semantics = [#tpu.dimension_semantics<core_parallel>, #tpu.dimension_semantics<subcore_parallel>], iteration_bounds = array<i64: 2, 16>, scalar_prefetch = 0 : i64, scratch_operands = 4 : i64, tpu.core_type = #tpu.core_type<sc_vector_subcore>, window_params = [{transform_indices = #map}, {transform_indices = #map1}, {transform_indices = #map}]} {
    %mul3A = arith.constant 2 : i32
    %mul3A_0 = arith.muli %arg1, %mul3A : i32
    %add3A = arith.addi %mul3A_0, %arg0 : i32
    %mul3A_1 = arith.constant 512 : i32
    %mul3A_2 = arith.muli %add3A, %mul3A_1 : i32
    "tpu.region"() ({
      %run_scoped3A = tpu.sem_alloc : memref<!tpu.dma_semaphore, #tpu.memory_space<semaphore_mem>>
      %dma_start3A_193 = tpu.memref_slice %arg3[%mul3A_2] : memref<16384xi32, #tpu.memory_space<hbm>> -> memref<512xi32, #tpu.memory_space<hbm>>
      %dma_start3A_194 = tpu.memref_slice %arg3[%mul3A_2] : memref<16384xi32, #tpu.memory_space<hbm>> -> memref<512xi32, #tpu.memory_space<hbm>>
      tpu.enqueue_dma source(%dma_start3A_194 : memref<512xi32, #tpu.memory_space<hbm>>) target(%arg5 : memref<512xi32, #tpu.memory_space<vmem>>) target_semaphore(%run_scoped3A : memref<!tpu.dma_semaphore, #tpu.memory_space<semaphore_mem>>)
      %dma_wait3A_195 = tpu.memref_slice %arg3[%mul3A_2] : memref<16384xi32, #tpu.memory_space<hbm>> -> memref<512xi32, #tpu.memory_space<hbm>>
      %dma_wait3A_196 = tpu.memref_slice %arg3[%mul3A_2] : memref<16384xi32, #tpu.memory_space<hbm>> -> memref<512xi32, #tpu.memory_space<hbm>>
      tpu.wait_dma2 semaphore(%run_scoped3A : memref<!tpu.dma_semaphore, #tpu.memory_space<semaphore_mem>>) src(%dma_wait3A_196 : memref<512xi32, #tpu.memory_space<hbm>>) dst(%arg5 : memref<512xi32, #tpu.memory_space<vmem>>)
      tpu.yield
    }) : () -> ()
    %dma_start3A = arith.constant 0 : i32
    %dma_start3A_3 = arith.constant 0 : i32
    %dma_start3A_4 = arith.constant 0 : i32
    %dma_start3A_5 = tpu.memref_slice %arg6[%dma_start3A, %dma_start3A_3, %dma_start3A_4] : memref<2x128x128xf32, #tpu.memory_space<vmem>> -> memref<1x128x128xf32, #tpu.memory_space<vmem>>
    %dma_start3A_6 = tpu.memref_squeeze %dma_start3A_5 : memref<1x128x128xf32, #tpu.memory_space<vmem>> -> memref<128x128xf32, #tpu.memory_space<vmem>>
    %dma_start3A_7 = arith.constant 0 : i32
    %dma_start3A_8 = tpu.memref_slice %arg5[%dma_start3A_7] : memref<512xi32, #tpu.memory_space<vmem>> -> memref<128xi32, #tpu.memory_space<vmem>>
    %dma_start3A_9 = arith.constant 0 : i32
    %dma_start3A_10 = arith.constant 0 : i32
    %dma_start3A_11 = tpu.memref_slice %arg2[%dma_start3A_9, %dma_start3A_10] : memref<1000000x128xf32, #tpu.memory_space<hbm>> -> memref<1000000x128xf32, #tpu.memory_space<hbm>>
    tpu.enqueue_indirect_dma source(%dma_start3A_11 : memref<1000000x128xf32, #tpu.memory_space<hbm>>) target(%dma_start3A_6 : memref<128x128xf32, #tpu.memory_space<vmem>>) offsets(%dma_start3A_8 : memref<128xi32, #tpu.memory_space<vmem>>) semaphore(%arg7 : memref<!tpu.dma_semaphore, #tpu.memory_space<semaphore_mem>>)
    %dma_start3A_12 = arith.constant 1 : i32
    %dma_start3A_13 = arith.constant 0 : i32
    %dma_start3A_14 = arith.constant 0 : i32
    %dma_start3A_15 = tpu.memref_slice %arg6[%dma_start3A_12, %dma_start3A_13, %dma_start3A_14] : memref<2x128x128xf32, #tpu.memory_space<vmem>> -> memref<1x128x128xf32, #tpu.memory_space<vmem>>
    %dma_start3A_16 = tpu.memref_squeeze %dma_start3A_15 : memref<1x128x128xf32, #tpu.memory_space<vmem>> -> memref<128x128xf32, #tpu.memory_space<vmem>>
    %dma_start3A_17 = arith.constant 128 : i32
    %dma_start3A_18 = tpu.memref_slice %arg5[%dma_start3A_17] : memref<512xi32, #tpu.memory_space<vmem>> -> memref<128xi32, #tpu.memory_space<vmem>>
    %dma_start3A_19 = arith.constant 0 : i32
    %dma_start3A_20 = arith.constant 0 : i32
    %dma_start3A_21 = tpu.memref_slice %arg2[%dma_start3A_19, %dma_start3A_20] : memref<1000000x128xf32, #tpu.memory_space<hbm>> -> memref<1000000x128xf32, #tpu.memory_space<hbm>>
    tpu.enqueue_indirect_dma source(%dma_start3A_21 : memref<1000000x128xf32, #tpu.memory_space<hbm>>) target(%dma_start3A_16 : memref<128x128xf32, #tpu.memory_space<vmem>>) offsets(%dma_start3A_18 : memref<128xi32, #tpu.memory_space<vmem>>) semaphore(%arg7 : memref<!tpu.dma_semaphore, #tpu.memory_space<semaphore_mem>>)
    %dma_wait3A = arith.constant 0 : i32
    %dma_wait3A_22 = arith.constant 0 : i32
    %dma_wait3A_23 = arith.constant 0 : i32
    %dma_wait3A_24 = tpu.memref_slice %arg6[%dma_wait3A, %dma_wait3A_22, %dma_wait3A_23] : memref<2x128x128xf32, #tpu.memory_space<vmem>> -> memref<1x128x128xf32, #tpu.memory_space<vmem>>
    %dma_wait3A_25 = tpu.memref_squeeze %dma_wait3A_24 : memref<1x128x128xf32, #tpu.memory_space<vmem>> -> memref<128x128xf32, #tpu.memory_space<vmem>>
    %dma_wait3A_26 = arith.constant 0 : i32
    %dma_wait3A_27 = tpu.memref_slice %arg5[%dma_wait3A_26] : memref<512xi32, #tpu.memory_space<vmem>> -> memref<128xi32, #tpu.memory_space<vmem>>
    %dma_wait3A_28 = arith.constant 0 : i32
    %dma_wait3A_29 = arith.constant 0 : i32
    %dma_wait3A_30 = tpu.memref_slice %arg2[%dma_wait3A_28, %dma_wait3A_29] : memref<1000000x128xf32, #tpu.memory_space<hbm>> -> memref<1000000x128xf32, #tpu.memory_space<hbm>>
    tpu.wait_indirect_dma semaphore(%arg7 : memref<!tpu.dma_semaphore, #tpu.memory_space<semaphore_mem>>) src(%dma_wait3A_30 : memref<1000000x128xf32, #tpu.memory_space<hbm>>) dst(%dma_wait3A_25 : memref<128x128xf32, #tpu.memory_space<vmem>>)
    %add3A_31 = arith.constant 0 : i32
    %add3A_32 = arith.addi %mul3A_2, %add3A_31 : i32
    %dma_start3A_33 = arith.constant 0 : i32
    %dma_start3A_34 = arith.constant 0 : i32
    %dma_start3A_35 = arith.constant 0 : i32
    %dma_start3A_36 = tpu.memref_slice %arg6[%dma_start3A_33, %dma_start3A_34, %dma_start3A_35] : memref<2x128x128xf32, #tpu.memory_space<vmem>> -> memref<1x128x128xf32, #tpu.memory_space<vmem>>
    %dma_start3A_37 = tpu.memref_squeeze %dma_start3A_36 : memref<1x128x128xf32, #tpu.memory_space<vmem>> -> memref<128x128xf32, #tpu.memory_space<vmem>>
    %dma_start3A_38 = arith.constant 0 : i32
    %dma_start3A_39 = tpu.memref_slice %arg4[%add3A_32, %dma_start3A_38] : memref<16384x128xf32, #tpu.memory_space<hbm>> -> memref<128x128xf32, #tpu.memory_space<hbm>>
    %dma_start3A_40 = arith.constant 0 : i32
    %dma_start3A_41 = tpu.memref_slice %arg4[%add3A_32, %dma_start3A_40] : memref<16384x128xf32, #tpu.memory_space<hbm>> -> memref<128x128xf32, #tpu.memory_space<hbm>>
    %dma_start3A_42 = arith.constant 0 : i32
    %dma_start3A_43 = arith.constant 0 : i32
    %dma_start3A_44 = tpu.memref_slice %arg6[%dma_start3A_33, %dma_start3A_42, %dma_start3A_43] : memref<2x128x128xf32, #tpu.memory_space<vmem>> -> memref<1x128x128xf32, #tpu.memory_space<vmem>>
    %dma_start3A_45 = tpu.memref_squeeze %dma_start3A_44 : memref<1x128x128xf32, #tpu.memory_space<vmem>> -> memref<128x128xf32, #tpu.memory_space<vmem>>
    tpu.enqueue_dma source(%dma_start3A_45 : memref<128x128xf32, #tpu.memory_space<vmem>>) target(%dma_start3A_41 : memref<128x128xf32, #tpu.memory_space<hbm>>) target_semaphore(%arg8 : memref<!tpu.dma_semaphore, #tpu.memory_space<semaphore_mem>>)
    %dma_wait3A_46 = arith.constant 0 : i32
    %dma_wait3A_47 = arith.constant 0 : i32
    %dma_wait3A_48 = arith.constant 0 : i32
    %dma_wait3A_49 = tpu.memref_slice %arg6[%dma_wait3A_46, %dma_wait3A_47, %dma_wait3A_48] : memref<2x128x128xf32, #tpu.memory_space<vmem>> -> memref<1x128x128xf32, #tpu.memory_space<vmem>>
    %dma_wait3A_50 = tpu.memref_squeeze %dma_wait3A_49 : memref<1x128x128xf32, #tpu.memory_space<vmem>> -> memref<128x128xf32, #tpu.memory_space<vmem>>
    %dma_wait3A_51 = arith.constant 0 : i32
    %dma_wait3A_52 = tpu.memref_slice %arg4[%add3A_32, %dma_wait3A_51] : memref<16384x128xf32, #tpu.memory_space<hbm>> -> memref<128x128xf32, #tpu.memory_space<hbm>>
    %dma_wait3A_53 = arith.constant 0 : i32
    %dma_wait3A_54 = tpu.memref_slice %arg4[%add3A_32, %dma_wait3A_53] : memref<16384x128xf32, #tpu.memory_space<hbm>> -> memref<128x128xf32, #tpu.memory_space<hbm>>
    %dma_wait3A_55 = arith.constant 0 : i32
    %dma_wait3A_56 = arith.constant 0 : i32
    %dma_wait3A_57 = tpu.memref_slice %arg6[%dma_wait3A_46, %dma_wait3A_55, %dma_wait3A_56] : memref<2x128x128xf32, #tpu.memory_space<vmem>> -> memref<1x128x128xf32, #tpu.memory_space<vmem>>
    %dma_wait3A_58 = tpu.memref_squeeze %dma_wait3A_57 : memref<1x128x128xf32, #tpu.memory_space<vmem>> -> memref<128x128xf32, #tpu.memory_space<vmem>>
    tpu.wait_dma2 semaphore(%arg8 : memref<!tpu.dma_semaphore, #tpu.memory_space<semaphore_mem>>) src(%dma_wait3A_58 : memref<128x128xf32, #tpu.memory_space<vmem>>) dst(%dma_wait3A_54 : memref<128x128xf32, #tpu.memory_space<hbm>>)
    %dma_start3A_59 = arith.constant 0 : i32
    %dma_start3A_60 = arith.constant 0 : i32
    %dma_start3A_61 = arith.constant 0 : i32
    %dma_start3A_62 = tpu.memref_slice %arg6[%dma_start3A_59, %dma_start3A_60, %dma_start3A_61] : memref<2x128x128xf32, #tpu.memory_space<vmem>> -> memref<1x128x128xf32, #tpu.memory_space<vmem>>
    %dma_start3A_63 = tpu.memref_squeeze %dma_start3A_62 : memref<1x128x128xf32, #tpu.memory_space<vmem>> -> memref<128x128xf32, #tpu.memory_space<vmem>>
    %dma_start3A_64 = arith.constant 256 : i32
    %dma_start3A_65 = tpu.memref_slice %arg5[%dma_start3A_64] : memref<512xi32, #tpu.memory_space<vmem>> -> memref<128xi32, #tpu.memory_space<vmem>>
    %dma_start3A_66 = arith.constant 0 : i32
    %dma_start3A_67 = arith.constant 0 : i32
    %dma_start3A_68 = tpu.memref_slice %arg2[%dma_start3A_66, %dma_start3A_67] : memref<1000000x128xf32, #tpu.memory_space<hbm>> -> memref<1000000x128xf32, #tpu.memory_space<hbm>>
    tpu.enqueue_indirect_dma source(%dma_start3A_68 : memref<1000000x128xf32, #tpu.memory_space<hbm>>) target(%dma_start3A_63 : memref<128x128xf32, #tpu.memory_space<vmem>>) offsets(%dma_start3A_65 : memref<128xi32, #tpu.memory_space<vmem>>) semaphore(%arg7 : memref<!tpu.dma_semaphore, #tpu.memory_space<semaphore_mem>>)
    %dma_wait3A_69 = arith.constant 1 : i32
    %dma_wait3A_70 = arith.constant 0 : i32
    %dma_wait3A_71 = arith.constant 0 : i32
    %dma_wait3A_72 = tpu.memref_slice %arg6[%dma_wait3A_69, %dma_wait3A_70, %dma_wait3A_71] : memref<2x128x128xf32, #tpu.memory_space<vmem>> -> memref<1x128x128xf32, #tpu.memory_space<vmem>>
    %dma_wait3A_73 = tpu.memref_squeeze %dma_wait3A_72 : memref<1x128x128xf32, #tpu.memory_space<vmem>> -> memref<128x128xf32, #tpu.memory_space<vmem>>
    %dma_wait3A_74 = arith.constant 128 : i32
    %dma_wait3A_75 = tpu.memref_slice %arg5[%dma_wait3A_74] : memref<512xi32, #tpu.memory_space<vmem>> -> memref<128xi32, #tpu.memory_space<vmem>>
    %dma_wait3A_76 = arith.constant 0 : i32
    %dma_wait3A_77 = arith.constant 0 : i32
    %dma_wait3A_78 = tpu.memref_slice %arg2[%dma_wait3A_76, %dma_wait3A_77] : memref<1000000x128xf32, #tpu.memory_space<hbm>> -> memref<1000000x128xf32, #tpu.memory_space<hbm>>
    tpu.wait_indirect_dma semaphore(%arg7 : memref<!tpu.dma_semaphore, #tpu.memory_space<semaphore_mem>>) src(%dma_wait3A_78 : memref<1000000x128xf32, #tpu.memory_space<hbm>>) dst(%dma_wait3A_73 : memref<128x128xf32, #tpu.memory_space<vmem>>)
    %add3A_79 = arith.constant 128 : i32
    %add3A_80 = arith.addi %mul3A_2, %add3A_79 : i32
    %dma_start3A_81 = arith.constant 1 : i32
    %dma_start3A_82 = arith.constant 0 : i32
    %dma_start3A_83 = arith.constant 0 : i32
    %dma_start3A_84 = tpu.memref_slice %arg6[%dma_start3A_81, %dma_start3A_82, %dma_start3A_83] : memref<2x128x128xf32, #tpu.memory_space<vmem>> -> memref<1x128x128xf32, #tpu.memory_space<vmem>>
    %dma_start3A_85 = tpu.memref_squeeze %dma_start3A_84 : memref<1x128x128xf32, #tpu.memory_space<vmem>> -> memref<128x128xf32, #tpu.memory_space<vmem>>
    %dma_start3A_86 = arith.constant 0 : i32
    %dma_start3A_87 = tpu.memref_slice %arg4[%add3A_80, %dma_start3A_86] : memref<16384x128xf32, #tpu.memory_space<hbm>> -> memref<128x128xf32, #tpu.memory_space<hbm>>
    %dma_start3A_88 = arith.constant 0 : i32
    %dma_start3A_89 = tpu.memref_slice %arg4[%add3A_80, %dma_start3A_88] : memref<16384x128xf32, #tpu.memory_space<hbm>> -> memref<128x128xf32, #tpu.memory_space<hbm>>
    %dma_start3A_90 = arith.constant 0 : i32
    %dma_start3A_91 = arith.constant 0 : i32
    %dma_start3A_92 = tpu.memref_slice %arg6[%dma_start3A_81, %dma_start3A_90, %dma_start3A_91] : memref<2x128x128xf32, #tpu.memory_space<vmem>> -> memref<1x128x128xf32, #tpu.memory_space<vmem>>
    %dma_start3A_93 = tpu.memref_squeeze %dma_start3A_92 : memref<1x128x128xf32, #tpu.memory_space<vmem>> -> memref<128x128xf32, #tpu.memory_space<vmem>>
    tpu.enqueue_dma source(%dma_start3A_93 : memref<128x128xf32, #tpu.memory_space<vmem>>) target(%dma_start3A_89 : memref<128x128xf32, #tpu.memory_space<hbm>>) target_semaphore(%arg8 : memref<!tpu.dma_semaphore, #tpu.memory_space<semaphore_mem>>)
    %dma_wait3A_94 = arith.constant 1 : i32
    %dma_wait3A_95 = arith.constant 0 : i32
    %dma_wait3A_96 = arith.constant 0 : i32
    %dma_wait3A_97 = tpu.memref_slice %arg6[%dma_wait3A_94, %dma_wait3A_95, %dma_wait3A_96] : memref<2x128x128xf32, #tpu.memory_space<vmem>> -> memref<1x128x128xf32, #tpu.memory_space<vmem>>
    %dma_wait3A_98 = tpu.memref_squeeze %dma_wait3A_97 : memref<1x128x128xf32, #tpu.memory_space<vmem>> -> memref<128x128xf32, #tpu.memory_space<vmem>>
    %dma_wait3A_99 = arith.constant 0 : i32
    %dma_wait3A_100 = tpu.memref_slice %arg4[%add3A_80, %dma_wait3A_99] : memref<16384x128xf32, #tpu.memory_space<hbm>> -> memref<128x128xf32, #tpu.memory_space<hbm>>
    %dma_wait3A_101 = arith.constant 0 : i32
    %dma_wait3A_102 = tpu.memref_slice %arg4[%add3A_80, %dma_wait3A_101] : memref<16384x128xf32, #tpu.memory_space<hbm>> -> memref<128x128xf32, #tpu.memory_space<hbm>>
    %dma_wait3A_103 = arith.constant 0 : i32
    %dma_wait3A_104 = arith.constant 0 : i32
    %dma_wait3A_105 = tpu.memref_slice %arg6[%dma_wait3A_94, %dma_wait3A_103, %dma_wait3A_104] : memref<2x128x128xf32, #tpu.memory_space<vmem>> -> memref<1x128x128xf32, #tpu.memory_space<vmem>>
    %dma_wait3A_106 = tpu.memref_squeeze %dma_wait3A_105 : memref<1x128x128xf32, #tpu.memory_space<vmem>> -> memref<128x128xf32, #tpu.memory_space<vmem>>
    tpu.wait_dma2 semaphore(%arg8 : memref<!tpu.dma_semaphore, #tpu.memory_space<semaphore_mem>>) src(%dma_wait3A_106 : memref<128x128xf32, #tpu.memory_space<vmem>>) dst(%dma_wait3A_102 : memref<128x128xf32, #tpu.memory_space<hbm>>)
    %dma_start3A_107 = arith.constant 1 : i32
    %dma_start3A_108 = arith.constant 0 : i32
    %dma_start3A_109 = arith.constant 0 : i32
    %dma_start3A_110 = tpu.memref_slice %arg6[%dma_start3A_107, %dma_start3A_108, %dma_start3A_109] : memref<2x128x128xf32, #tpu.memory_space<vmem>> -> memref<1x128x128xf32, #tpu.memory_space<vmem>>
    %dma_start3A_111 = tpu.memref_squeeze %dma_start3A_110 : memref<1x128x128xf32, #tpu.memory_space<vmem>> -> memref<128x128xf32, #tpu.memory_space<vmem>>
    %dma_start3A_112 = arith.constant 384 : i32
    %dma_start3A_113 = tpu.memref_slice %arg5[%dma_start3A_112] : memref<512xi32, #tpu.memory_space<vmem>> -> memref<128xi32, #tpu.memory_space<vmem>>
    %dma_start3A_114 = arith.constant 0 : i32
    %dma_start3A_115 = arith.constant 0 : i32
    %dma_start3A_116 = tpu.memref_slice %arg2[%dma_start3A_114, %dma_start3A_115] : memref<1000000x128xf32, #tpu.memory_space<hbm>> -> memref<1000000x128xf32, #tpu.memory_space<hbm>>
    tpu.enqueue_indirect_dma source(%dma_start3A_116 : memref<1000000x128xf32, #tpu.memory_space<hbm>>) target(%dma_start3A_111 : memref<128x128xf32, #tpu.memory_space<vmem>>) offsets(%dma_start3A_113 : memref<128xi32, #tpu.memory_space<vmem>>) semaphore(%arg7 : memref<!tpu.dma_semaphore, #tpu.memory_space<semaphore_mem>>)
    %dma_wait3A_117 = arith.constant 0 : i32
    %dma_wait3A_118 = arith.constant 0 : i32
    %dma_wait3A_119 = arith.constant 0 : i32
    %dma_wait3A_120 = tpu.memref_slice %arg6[%dma_wait3A_117, %dma_wait3A_118, %dma_wait3A_119] : memref<2x128x128xf32, #tpu.memory_space<vmem>> -> memref<1x128x128xf32, #tpu.memory_space<vmem>>
    %dma_wait3A_121 = tpu.memref_squeeze %dma_wait3A_120 : memref<1x128x128xf32, #tpu.memory_space<vmem>> -> memref<128x128xf32, #tpu.memory_space<vmem>>
    %dma_wait3A_122 = arith.constant 256 : i32
    %dma_wait3A_123 = tpu.memref_slice %arg5[%dma_wait3A_122] : memref<512xi32, #tpu.memory_space<vmem>> -> memref<128xi32, #tpu.memory_space<vmem>>
    %dma_wait3A_124 = arith.constant 0 : i32
    %dma_wait3A_125 = arith.constant 0 : i32
    %dma_wait3A_126 = tpu.memref_slice %arg2[%dma_wait3A_124, %dma_wait3A_125] : memref<1000000x128xf32, #tpu.memory_space<hbm>> -> memref<1000000x128xf32, #tpu.memory_space<hbm>>
    tpu.wait_indirect_dma semaphore(%arg7 : memref<!tpu.dma_semaphore, #tpu.memory_space<semaphore_mem>>) src(%dma_wait3A_126 : memref<1000000x128xf32, #tpu.memory_space<hbm>>) dst(%dma_wait3A_121 : memref<128x128xf32, #tpu.memory_space<vmem>>)
    %add3A_127 = arith.constant 256 : i32
    %add3A_128 = arith.addi %mul3A_2, %add3A_127 : i32
    %dma_start3A_129 = arith.constant 0 : i32
    %dma_start3A_130 = arith.constant 0 : i32
    %dma_start3A_131 = arith.constant 0 : i32
    %dma_start3A_132 = tpu.memref_slice %arg6[%dma_start3A_129, %dma_start3A_130, %dma_start3A_131] : memref<2x128x128xf32, #tpu.memory_space<vmem>> -> memref<1x128x128xf32, #tpu.memory_space<vmem>>
    %dma_start3A_133 = tpu.memref_squeeze %dma_start3A_132 : memref<1x128x128xf32, #tpu.memory_space<vmem>> -> memref<128x128xf32, #tpu.memory_space<vmem>>
    %dma_start3A_134 = arith.constant 0 : i32
    %dma_start3A_135 = tpu.memref_slice %arg4[%add3A_128, %dma_start3A_134] : memref<16384x128xf32, #tpu.memory_space<hbm>> -> memref<128x128xf32, #tpu.memory_space<hbm>>
    %dma_start3A_136 = arith.constant 0 : i32
    %dma_start3A_137 = tpu.memref_slice %arg4[%add3A_128, %dma_start3A_136] : memref<16384x128xf32, #tpu.memory_space<hbm>> -> memref<128x128xf32, #tpu.memory_space<hbm>>
    %dma_start3A_138 = arith.constant 0 : i32
    %dma_start3A_139 = arith.constant 0 : i32
    %dma_start3A_140 = tpu.memref_slice %arg6[%dma_start3A_129, %dma_start3A_138, %dma_start3A_139] : memref<2x128x128xf32, #tpu.memory_space<vmem>> -> memref<1x128x128xf32, #tpu.memory_space<vmem>>
    %dma_start3A_141 = tpu.memref_squeeze %dma_start3A_140 : memref<1x128x128xf32, #tpu.memory_space<vmem>> -> memref<128x128xf32, #tpu.memory_space<vmem>>
    tpu.enqueue_dma source(%dma_start3A_141 : memref<128x128xf32, #tpu.memory_space<vmem>>) target(%dma_start3A_137 : memref<128x128xf32, #tpu.memory_space<hbm>>) target_semaphore(%arg8 : memref<!tpu.dma_semaphore, #tpu.memory_space<semaphore_mem>>)
    %dma_wait3A_142 = arith.constant 1 : i32
    %dma_wait3A_143 = arith.constant 0 : i32
    %dma_wait3A_144 = arith.constant 0 : i32
    %dma_wait3A_145 = tpu.memref_slice %arg6[%dma_wait3A_142, %dma_wait3A_143, %dma_wait3A_144] : memref<2x128x128xf32, #tpu.memory_space<vmem>> -> memref<1x128x128xf32, #tpu.memory_space<vmem>>
    %dma_wait3A_146 = tpu.memref_squeeze %dma_wait3A_145 : memref<1x128x128xf32, #tpu.memory_space<vmem>> -> memref<128x128xf32, #tpu.memory_space<vmem>>
    %dma_wait3A_147 = arith.constant 384 : i32
    %dma_wait3A_148 = tpu.memref_slice %arg5[%dma_wait3A_147] : memref<512xi32, #tpu.memory_space<vmem>> -> memref<128xi32, #tpu.memory_space<vmem>>
    %dma_wait3A_149 = arith.constant 0 : i32
    %dma_wait3A_150 = arith.constant 0 : i32
    %dma_wait3A_151 = tpu.memref_slice %arg2[%dma_wait3A_149, %dma_wait3A_150] : memref<1000000x128xf32, #tpu.memory_space<hbm>> -> memref<1000000x128xf32, #tpu.memory_space<hbm>>
    tpu.wait_indirect_dma semaphore(%arg7 : memref<!tpu.dma_semaphore, #tpu.memory_space<semaphore_mem>>) src(%dma_wait3A_151 : memref<1000000x128xf32, #tpu.memory_space<hbm>>) dst(%dma_wait3A_146 : memref<128x128xf32, #tpu.memory_space<vmem>>)
    %add3A_152 = arith.constant 384 : i32
    %add3A_153 = arith.addi %mul3A_2, %add3A_152 : i32
    %dma_start3A_154 = arith.constant 1 : i32
    %dma_start3A_155 = arith.constant 0 : i32
    %dma_start3A_156 = arith.constant 0 : i32
    %dma_start3A_157 = tpu.memref_slice %arg6[%dma_start3A_154, %dma_start3A_155, %dma_start3A_156] : memref<2x128x128xf32, #tpu.memory_space<vmem>> -> memref<1x128x128xf32, #tpu.memory_space<vmem>>
    %dma_start3A_158 = tpu.memref_squeeze %dma_start3A_157 : memref<1x128x128xf32, #tpu.memory_space<vmem>> -> memref<128x128xf32, #tpu.memory_space<vmem>>
    %dma_start3A_159 = arith.constant 0 : i32
    %dma_start3A_160 = tpu.memref_slice %arg4[%add3A_153, %dma_start3A_159] : memref<16384x128xf32, #tpu.memory_space<hbm>> -> memref<128x128xf32, #tpu.memory_space<hbm>>
    %dma_start3A_161 = arith.constant 0 : i32
    %dma_start3A_162 = tpu.memref_slice %arg4[%add3A_153, %dma_start3A_161] : memref<16384x128xf32, #tpu.memory_space<hbm>> -> memref<128x128xf32, #tpu.memory_space<hbm>>
    %dma_start3A_163 = arith.constant 0 : i32
    %dma_start3A_164 = arith.constant 0 : i32
    %dma_start3A_165 = tpu.memref_slice %arg6[%dma_start3A_154, %dma_start3A_163, %dma_start3A_164] : memref<2x128x128xf32, #tpu.memory_space<vmem>> -> memref<1x128x128xf32, #tpu.memory_space<vmem>>
    %dma_start3A_166 = tpu.memref_squeeze %dma_start3A_165 : memref<1x128x128xf32, #tpu.memory_space<vmem>> -> memref<128x128xf32, #tpu.memory_space<vmem>>
    tpu.enqueue_dma source(%dma_start3A_166 : memref<128x128xf32, #tpu.memory_space<vmem>>) target(%dma_start3A_162 : memref<128x128xf32, #tpu.memory_space<hbm>>) target_semaphore(%arg8 : memref<!tpu.dma_semaphore, #tpu.memory_space<semaphore_mem>>)
    %dma_wait3A_167 = arith.constant 1 : i32
    %dma_wait3A_168 = arith.constant 0 : i32
    %dma_wait3A_169 = arith.constant 0 : i32
    %dma_wait3A_170 = tpu.memref_slice %arg6[%dma_wait3A_167, %dma_wait3A_168, %dma_wait3A_169] : memref<2x128x128xf32, #tpu.memory_space<vmem>> -> memref<1x128x128xf32, #tpu.memory_space<vmem>>
    %dma_wait3A_171 = tpu.memref_squeeze %dma_wait3A_170 : memref<1x128x128xf32, #tpu.memory_space<vmem>> -> memref<128x128xf32, #tpu.memory_space<vmem>>
    %dma_wait3A_172 = arith.constant 0 : i32
    %dma_wait3A_173 = tpu.memref_slice %arg4[%add3A_153, %dma_wait3A_172] : memref<16384x128xf32, #tpu.memory_space<hbm>> -> memref<128x128xf32, #tpu.memory_space<hbm>>
    %dma_wait3A_174 = arith.constant 0 : i32
    %dma_wait3A_175 = tpu.memref_slice %arg4[%add3A_153, %dma_wait3A_174] : memref<16384x128xf32, #tpu.memory_space<hbm>> -> memref<128x128xf32, #tpu.memory_space<hbm>>
    %dma_wait3A_176 = arith.constant 0 : i32
    %dma_wait3A_177 = arith.constant 0 : i32
    %dma_wait3A_178 = tpu.memref_slice %arg6[%dma_wait3A_167, %dma_wait3A_176, %dma_wait3A_177] : memref<2x128x128xf32, #tpu.memory_space<vmem>> -> memref<1x128x128xf32, #tpu.memory_space<vmem>>
    %dma_wait3A_179 = tpu.memref_squeeze %dma_wait3A_178 : memref<1x128x128xf32, #tpu.memory_space<vmem>> -> memref<128x128xf32, #tpu.memory_space<vmem>>
    tpu.wait_dma2 semaphore(%arg8 : memref<!tpu.dma_semaphore, #tpu.memory_space<semaphore_mem>>) src(%dma_wait3A_179 : memref<128x128xf32, #tpu.memory_space<vmem>>) dst(%dma_wait3A_175 : memref<128x128xf32, #tpu.memory_space<hbm>>)
    %dma_wait3A_180 = arith.constant 0 : i32
    %dma_wait3A_181 = arith.constant 0 : i32
    %dma_wait3A_182 = arith.constant 0 : i32
    %dma_wait3A_183 = tpu.memref_slice %arg6[%dma_wait3A_180, %dma_wait3A_181, %dma_wait3A_182] : memref<2x128x128xf32, #tpu.memory_space<vmem>> -> memref<1x128x128xf32, #tpu.memory_space<vmem>>
    %dma_wait3A_184 = tpu.memref_squeeze %dma_wait3A_183 : memref<1x128x128xf32, #tpu.memory_space<vmem>> -> memref<128x128xf32, #tpu.memory_space<vmem>>
    %dma_wait3A_185 = arith.constant 0 : i32
    %dma_wait3A_186 = tpu.memref_slice %arg4[%add3A_128, %dma_wait3A_185] : memref<16384x128xf32, #tpu.memory_space<hbm>> -> memref<128x128xf32, #tpu.memory_space<hbm>>
    %dma_wait3A_187 = arith.constant 0 : i32
    %dma_wait3A_188 = tpu.memref_slice %arg4[%add3A_128, %dma_wait3A_187] : memref<16384x128xf32, #tpu.memory_space<hbm>> -> memref<128x128xf32, #tpu.memory_space<hbm>>
    %dma_wait3A_189 = arith.constant 0 : i32
    %dma_wait3A_190 = arith.constant 0 : i32
    %dma_wait3A_191 = tpu.memref_slice %arg6[%dma_wait3A_180, %dma_wait3A_189, %dma_wait3A_190] : memref<2x128x128xf32, #tpu.memory_space<vmem>> -> memref<1x128x128xf32, #tpu.memory_space<vmem>>
    %dma_wait3A_192 = tpu.memref_squeeze %dma_wait3A_191 : memref<1x128x128xf32, #tpu.memory_space<vmem>> -> memref<128x128xf32, #tpu.memory_space<vmem>>
    tpu.wait_dma2 semaphore(%arg8 : memref<!tpu.dma_semaphore, #tpu.memory_space<semaphore_mem>>) src(%dma_wait3A_192 : memref<128x128xf32, #tpu.memory_space<vmem>>) dst(%dma_wait3A_188 : memref<128x128xf32, #tpu.memory_space<hbm>>)
    return
  }
}

#map = affine_map<(d0, d1) -> (0, 0)>
#map1 = affine_map<(d0, d1) -> (0)>
module attributes {stable_mosaic.version = 14 : i64} {
  func.func @gather_kernel(%arg0: i32, %arg1: i32, %arg2: memref<1000000x128xf32, #tpu.memory_space<hbm>>, %arg3: memref<16384xi32, #tpu.memory_space<hbm>>, %arg4: memref<16384x128xf32, #tpu.memory_space<hbm>>, %arg5: memref<512xi32, #tpu.memory_space<vmem>>, %arg6: memref<2x128x128xf32, #tpu.memory_space<vmem>>, %arg7: memref<!tpu.dma_semaphore, #tpu.memory_space<semaphore_mem>>, %arg8: memref<!tpu.dma_semaphore, #tpu.memory_space<semaphore_mem>>) attributes {dimension_semantics = [#tpu.dimension_semantics<core_parallel>, #tpu.dimension_semantics<subcore_parallel>], iteration_bounds = array<i64: 2, 16>, scalar_prefetch = 0 : i64, scratch_operands = 4 : i64, tpu.core_type = #tpu.core_type<sc_vector_subcore>, window_params = [{transform_indices = #map}, {transform_indices = #map1}, {transform_indices = #map}]} {
    %mul3A = arith.constant 2 : i32
    %mul3A_0 = arith.muli %arg1, %mul3A : i32
    %add3A = arith.addi %mul3A_0, %arg0 : i32
    %mul3A_1 = arith.constant 512 : i32
    %mul3A_2 = arith.muli %add3A, %mul3A_1 : i32
    "tpu.region"() ({
      %run_scoped3A = tpu.sem_alloc : memref<!tpu.dma_semaphore, #tpu.memory_space<semaphore_mem>>
      %dma_start3A_193 = tpu.memref_slice %arg3[%mul3A_2] : memref<16384xi32, #tpu.memory_space<hbm>> -> memref<512xi32, #tpu.memory_space<hbm>>
      %dma_start3A_194 = tpu.memref_slice %arg3[%mul3A_2] : memref<16384xi32, #tpu.memory_space<hbm>> -> memref<512xi32, #tpu.memory_space<hbm>>
      tpu.enqueue_dma source(%dma_start3A_194 : memref<512xi32, #tpu.memory_space<hbm>>) target(%arg5 : memref<512xi32, #tpu.memory_space<vmem>>) target_semaphore(%run_scoped3A : memref<!tpu.dma_semaphore, #tpu.memory_space<semaphore_mem>>)
      %dma_wait3A_195 = tpu.memref_slice %arg3[%mul3A_2] : memref<16384xi32, #tpu.memory_space<hbm>> -> memref<512xi32, #tpu.memory_space<hbm>>
      %dma_wait3A_196 = tpu.memref_slice %arg3[%mul3A_2] : memref<16384xi32, #tpu.memory_space<hbm>> -> memref<512xi32, #tpu.memory_space<hbm>>
      tpu.wait_dma2 semaphore(%run_scoped3A : memref<!tpu.dma_semaphore, #tpu.memory_space<semaphore_mem>>) src(%dma_wait3A_196 : memref<512xi32, #tpu.memory_space<hbm>>) dst(%arg5 : memref<512xi32, #tpu.memory_space<vmem>>)
      tpu.yield
    }) : () -> ()
    %dma_start3A = arith.constant 0 : i32
    %dma_start3A_3 = arith.constant 0 : i32
    %dma_start3A_4 = arith.constant 0 : i32
    %dma_start3A_5 = tpu.memref_slice %arg6[%dma_start3A, %dma_start3A_3, %dma_start3A_4] : memref<2x128x128xf32, #tpu.memory_space<vmem>> -> memref<1x128x128xf32, #tpu.memory_space<vmem>>
    %dma_start3A_6 = tpu.memref_squeeze %dma_start3A_5 : memref<1x128x128xf32, #tpu.memory_space<vmem>> -> memref<128x128xf32, #tpu.memory_space<vmem>>
    %dma_start3A_7 = arith.constant 0 : i32
    %dma_start3A_8 = tpu.memref_slice %arg5[%dma_start3A_7] : memref<512xi32, #tpu.memory_space<vmem>> -> memref<128xi32, #tpu.memory_space<vmem>>
    %dma_start3A_9 = arith.constant 0 : i32
    %dma_start3A_10 = arith.constant 0 : i32
    %dma_start3A_11 = tpu.memref_slice %arg2[%dma_start3A_9, %dma_start3A_10] : memref<1000000x128xf32, #tpu.memory_space<hbm>> -> memref<1000000x128xf32, #tpu.memory_space<hbm>>
    tpu.enqueue_indirect_dma source(%dma_start3A_11 : memref<1000000x128xf32, #tpu.memory_space<hbm>>) target(%dma_start3A_6 : memref<128x128xf32, #tpu.memory_space<vmem>>) offsets(%dma_start3A_8 : memref<128xi32, #tpu.memory_space<vmem>>) semaphore(%arg7 : memref<!tpu.dma_semaphore, #tpu.memory_space<semaphore_mem>>)
    %dma_start3A_12 = arith.constant 1 : i32
    %dma_start3A_13 = arith.constant 0 : i32
    %dma_start3A_14 = arith.constant 0 : i32
    %dma_start3A_15 = tpu.memref_slice %arg6[%dma_start3A_12, %dma_start3A_13, %dma_start3A_14] : memref<2x128x128xf32, #tpu.memory_space<vmem>> -> memref<1x128x128xf32, #tpu.memory_space<vmem>>
    %dma_start3A_16 = tpu.memref_squeeze %dma_start3A_15 : memref<1x128x128xf32, #tpu.memory_space<vmem>> -> memref<128x128xf32, #tpu.memory_space<vmem>>
    %dma_start3A_17 = arith.constant 128 : i32
    %dma_start3A_18 = tpu.memref_slice %arg5[%dma_start3A_17] : memref<512xi32, #tpu.memory_space<vmem>> -> memref<128xi32, #tpu.memory_space<vmem>>
    %dma_start3A_19 = arith.constant 0 : i32
    %dma_start3A_20 = arith.constant 0 : i32
    %dma_start3A_21 = tpu.memref_slice %arg2[%dma_start3A_19, %dma_start3A_20] : memref<1000000x128xf32, #tpu.memory_space<hbm>> -> memref<1000000x128xf32, #tpu.memory_space<hbm>>
    tpu.enqueue_indirect_dma source(%dma_start3A_21 : memref<1000000x128xf32, #tpu.memory_space<hbm>>) target(%dma_start3A_16 : memref<128x128xf32, #tpu.memory_space<vmem>>) offsets(%dma_start3A_18 : memref<128xi32, #tpu.memory_space<vmem>>) semaphore(%arg7 : memref<!tpu.dma_semaphore, #tpu.memory_space<semaphore_mem>>)
    %dma_wait3A = arith.constant 0 : i32
    %dma_wait3A_22 = arith.constant 0 : i32
    %dma_wait3A_23 = arith.constant 0 : i32
    %dma_wait3A_24 = tpu.memref_slice %arg6[%dma_wait3A, %dma_wait3A_22, %dma_wait3A_23] : memref<2x128x128xf32, #tpu.memory_space<vmem>> -> memref<1x128x128xf32, #tpu.memory_space<vmem>>
    %dma_wait3A_25 = tpu.memref_squeeze %dma_wait3A_24 : memref<1x128x128xf32, #tpu.memory_space<vmem>> -> memref<128x128xf32, #tpu.memory_space<vmem>>
    %dma_wait3A_26 = arith.constant 0 : i32
    %dma_wait3A_27 = tpu.memref_slice %arg5[%dma_wait3A_26] : memref<512xi32, #tpu.memory_space<vmem>> -> memref<128xi32, #tpu.memory_space<vmem>>
    %dma_wait3A_28 = arith.constant 0 : i32
    %dma_wait3A_29 = arith.constant 0 : i32
    %dma_wait3A_30 = tpu.memref_slice %arg2[%dma_wait3A_28, %dma_wait3A_29] : memref<1000000x128xf32, #tpu.memory_space<hbm>> -> memref<1000000x128xf32, #tpu.memory_space<hbm>>
    tpu.wait_indirect_dma semaphore(%arg7 : memref<!tpu.dma_semaphore, #tpu.memory_space<semaphore_mem>>) src(%dma_wait3A_30 : memref<1000000x128xf32, #tpu.memory_space<hbm>>) dst(%dma_wait3A_25 : memref<128x128xf32, #tpu.memory_space<vmem>>)
    %add3A_31 = arith.constant 0 : i32
    %add3A_32 = arith.addi %mul3A_2, %add3A_31 : i32
    %dma_start3A_33 = arith.constant 0 : i32
    %dma_start3A_34 = arith.constant 0 : i32
    %dma_start3A_35 = arith.constant 0 : i32
    %dma_start3A_36 = tpu.memref_slice %arg6[%dma_start3A_33, %dma_start3A_34, %dma_start3A_35] : memref<2x128x128xf32, #tpu.memory_space<vmem>> -> memref<1x128x128xf32, #tpu.memory_space<vmem>>
    %dma_start3A_37 = tpu.memref_squeeze %dma_start3A_36 : memref<1x128x128xf32, #tpu.memory_space<vmem>> -> memref<128x128xf32, #tpu.memory_space<vmem>>
    %dma_start3A_38 = arith.constant 0 : i32
    %dma_start3A_39 = tpu.memref_slice %arg4[%add3A_32, %dma_start3A_38] : memref<16384x128xf32, #tpu.memory_space<hbm>> -> memref<128x128xf32, #tpu.memory_space<hbm>>
    %dma_start3A_40 = arith.constant 0 : i32
    %dma_start3A_41 = tpu.memref_slice %arg4[%add3A_32, %dma_start3A_40] : memref<16384x128xf32, #tpu.memory_space<hbm>> -> memref<128x128xf32, #tpu.memory_space<hbm>>
    %dma_start3A_42 = arith.constant 0 : i32
    %dma_start3A_43 = arith.constant 0 : i32
    %dma_start3A_44 = tpu.memref_slice %arg6[%dma_start3A_33, %dma_start3A_42, %dma_start3A_43] : memref<2x128x128xf32, #tpu.memory_space<vmem>> -> memref<1x128x128xf32, #tpu.memory_space<vmem>>
    %dma_start3A_45 = tpu.memref_squeeze %dma_start3A_44 : memref<1x128x128xf32, #tpu.memory_space<vmem>> -> memref<128x128xf32, #tpu.memory_space<vmem>>
    tpu.enqueue_dma source(%dma_start3A_45 : memref<128x128xf32, #tpu.memory_space<vmem>>) target(%dma_start3A_41 : memref<128x128xf32, #tpu.memory_space<hbm>>) target_semaphore(%arg8 : memref<!tpu.dma_semaphore, #tpu.memory_space<semaphore_mem>>)
    %dma_wait3A_46 = arith.constant 0 : i32
    %dma_wait3A_47 = arith.constant 0 : i32
    %dma_wait3A_48 = arith.constant 0 : i32
    %dma_wait3A_49 = tpu.memref_slice %arg6[%dma_wait3A_46, %dma_wait3A_47, %dma_wait3A_48] : memref<2x128x128xf32, #tpu.memory_space<vmem>> -> memref<1x128x128xf32, #tpu.memory_space<vmem>>
    %dma_wait3A_50 = tpu.memref_squeeze %dma_wait3A_49 : memref<1x128x128xf32, #tpu.memory_space<vmem>> -> memref<128x128xf32, #tpu.memory_space<vmem>>
    %dma_wait3A_51 = arith.constant 0 : i32
    %dma_wait3A_52 = tpu.memref_slice %arg4[%add3A_32, %dma_wait3A_51] : memref<16384x128xf32, #tpu.memory_space<hbm>> -> memref<128x128xf32, #tpu.memory_space<hbm>>
    %dma_wait3A_53 = arith.constant 0 : i32
    %dma_wait3A_54 = tpu.memref_slice %arg4[%add3A_32, %dma_wait3A_53] : memref<16384x128xf32, #tpu.memory_space<hbm>> -> memref<128x128xf32, #tpu.memory_space<hbm>>
    %dma_wait3A_55 = arith.constant 0 : i32
    %dma_wait3A_56 = arith.constant 0 : i32
    %dma_wait3A_57 = tpu.memref_slice %arg6[%dma_wait3A_46, %dma_wait3A_55, %dma_wait3A_56] : memref<2x128x128xf32, #tpu.memory_space<vmem>> -> memref<1x128x128xf32, #tpu.memory_space<vmem>>
    %dma_wait3A_58 = tpu.memref_squeeze %dma_wait3A_57 : memref<1x128x128xf32, #tpu.memory_space<vmem>> -> memref<128x128xf32, #tpu.memory_space<vmem>>
    tpu.wait_dma2 semaphore(%arg8 : memref<!tpu.dma_semaphore, #tpu.memory_space<semaphore_mem>>) src(%dma_wait3A_58 : memref<128x128xf32, #tpu.memory_space<vmem>>) dst(%dma_wait3A_54 : memref<128x128xf32, #tpu.memory_space<hbm>>)
    %dma_start3A_59 = arith.constant 0 : i32
    %dma_start3A_60 = arith.constant 0 : i32
    %dma_start3A_61 = arith.constant 0 : i32
    %dma_start3A_62 = tpu.memref_slice %arg6[%dma_start3A_59, %dma_start3A_60, %dma_start3A_61] : memref<2x128x128xf32, #tpu.memory_space<vmem>> -> memref<1x128x128xf32, #tpu.memory_space<vmem>>
    %dma_start3A_63 = tpu.memref_squeeze %dma_start3A_62 : memref<1x128x128xf32, #tpu.memory_space<vmem>> -> memref<128x128xf32, #tpu.memory_space<vmem>>
    %dma_start3A_64 = arith.constant 256 : i32
    %dma_start3A_65 = tpu.memref_slice %arg5[%dma_start3A_64] : memref<512xi32, #tpu.memory_space<vmem>> -> memref<128xi32, #tpu.memory_space<vmem>>
    %dma_start3A_66 = arith.constant 0 : i32
    %dma_start3A_67 = arith.constant 0 : i32
    %dma_start3A_68 = tpu.memref_slice %arg2[%dma_start3A_66, %dma_start3A_67] : memref<1000000x128xf32, #tpu.memory_space<hbm>> -> memref<1000000x128xf32, #tpu.memory_space<hbm>>
    tpu.enqueue_indirect_dma source(%dma_start3A_68 : memref<1000000x128xf32, #tpu.memory_space<hbm>>) target(%dma_start3A_63 : memref<128x128xf32, #tpu.memory_space<vmem>>) offsets(%dma_start3A_65 : memref<128xi32, #tpu.memory_space<vmem>>) semaphore(%arg7 : memref<!tpu.dma_semaphore, #tpu.memory_space<semaphore_mem>>)
    %dma_wait3A_69 = arith.constant 1 : i32
    %dma_wait3A_70 = arith.constant 0 : i32
    %dma_wait3A_71 = arith.constant 0 : i32
    %dma_wait3A_72 = tpu.memref_slice %arg6[%dma_wait3A_69, %dma_wait3A_70, %dma_wait3A_71] : memref<2x128x128xf32, #tpu.memory_space<vmem>> -> memref<1x128x128xf32, #tpu.memory_space<vmem>>
    %dma_wait3A_73 = tpu.memref_squeeze %dma_wait3A_72 : memref<1x128x128xf32, #tpu.memory_space<vmem>> -> memref<128x128xf32, #tpu.memory_space<vmem>>
    %dma_wait3A_74 = arith.constant 128 : i32
    %dma_wait3A_75 = tpu.memref_slice %arg5[%dma_wait3A_74] : memref<512xi32, #tpu.memory_space<vmem>> -> memref<128xi32, #tpu.memory_space<vmem>>
    %dma_wait3A_76 = arith.constant 0 : i32
    %dma_wait3A_77 = arith.constant 0 : i32
    %dma_wait3A_78 = tpu.memref_slice %arg2[%dma_wait3A_76, %dma_wait3A_77] : memref<1000000x128xf32, #tpu.memory_space<hbm>> -> memref<1000000x128xf32, #tpu.memory_space<hbm>>
    tpu.wait_indirect_dma semaphore(%arg7 : memref<!tpu.dma_semaphore, #tpu.memory_space<semaphore_mem>>) src(%dma_wait3A_78 : memref<1000000x128xf32, #tpu.memory_space<hbm>>) dst(%dma_wait3A_73 : memref<128x128xf32, #tpu.memory_space<vmem>>)
    %add3A_79 = arith.constant 128 : i32
    %add3A_80 = arith.addi %mul3A_2, %add3A_79 : i32
    %dma_start3A_81 = arith.constant 1 : i32
    %dma_start3A_82 = arith.constant 0 : i32
    %dma_start3A_83 = arith.constant 0 : i32
    %dma_start3A_84 = tpu.memref_slice %arg6[%dma_start3A_81, %dma_start3A_82, %dma_start3A_83] : memref<2x128x128xf32, #tpu.memory_space<vmem>> -> memref<1x128x128xf32, #tpu.memory_space<vmem>>
    %dma_start3A_85 = tpu.memref_squeeze %dma_start3A_84 : memref<1x128x128xf32, #tpu.memory_space<vmem>> -> memref<128x128xf32, #tpu.memory_space<vmem>>
    %dma_start3A_86 = arith.constant 0 : i32
    %dma_start3A_87 = tpu.memref_slice %arg4[%add3A_80, %dma_start3A_86] : memref<16384x128xf32, #tpu.memory_space<hbm>> -> memref<128x128xf32, #tpu.memory_space<hbm>>
    %dma_start3A_88 = arith.constant 0 : i32
    %dma_start3A_89 = tpu.memref_slice %arg4[%add3A_80, %dma_start3A_88] : memref<16384x128xf32, #tpu.memory_space<hbm>> -> memref<128x128xf32, #tpu.memory_space<hbm>>
    %dma_start3A_90 = arith.constant 0 : i32
    %dma_start3A_91 = arith.constant 0 : i32
    %dma_start3A_92 = tpu.memref_slice %arg6[%dma_start3A_81, %dma_start3A_90, %dma_start3A_91] : memref<2x128x128xf32, #tpu.memory_space<vmem>> -> memref<1x128x128xf32, #tpu.memory_space<vmem>>
    %dma_start3A_93 = tpu.memref_squeeze %dma_start3A_92 : memref<1x128x128xf32, #tpu.memory_space<vmem>> -> memref<128x128xf32, #tpu.memory_space<vmem>>
    tpu.enqueue_dma source(%dma_start3A_93 : memref<128x128xf32, #tpu.memory_space<vmem>>) target(%dma_start3A_89 : memref<128x128xf32, #tpu.memory_space<hbm>>) target_semaphore(%arg8 : memref<!tpu.dma_semaphore, #tpu.memory_space<semaphore_mem>>)
    %dma_wait3A_94 = arith.constant 1 : i32
    %dma_wait3A_95 = arith.constant 0 : i32
    %dma_wait3A_96 = arith.constant 0 : i32
    %dma_wait3A_97 = tpu.memref_slice %arg6[%dma_wait3A_94, %dma_wait3A_95, %dma_wait3A_96] : memref<2x128x128xf32, #tpu.memory_space<vmem>> -> memref<1x128x128xf32, #tpu.memory_space<vmem>>
    %dma_wait3A_98 = tpu.memref_squeeze %dma_wait3A_97 : memref<1x128x128xf32, #tpu.memory_space<vmem>> -> memref<128x128xf32, #tpu.memory_space<vmem>>
    %dma_wait3A_99 = arith.constant 0 : i32
    %dma_wait3A_100 = tpu.memref_slice %arg4[%add3A_80, %dma_wait3A_99] : memref<16384x128xf32, #tpu.memory_space<hbm>> -> memref<128x128xf32, #tpu.memory_space<hbm>>
    %dma_wait3A_101 = arith.constant 0 : i32
    %dma_wait3A_102 = tpu.memref_slice %arg4[%add3A_80, %dma_wait3A_101] : memref<16384x128xf32, #tpu.memory_space<hbm>> -> memref<128x128xf32, #tpu.memory_space<hbm>>
    %dma_wait3A_103 = arith.constant 0 : i32
    %dma_wait3A_104 = arith.constant 0 : i32
    %dma_wait3A_105 = tpu.memref_slice %arg6[%dma_wait3A_94, %dma_wait3A_103, %dma_wait3A_104] : memref<2x128x128xf32, #tpu.memory_space<vmem>> -> memref<1x128x128xf32, #tpu.memory_space<vmem>>
    %dma_wait3A_106 = tpu.memref_squeeze %dma_wait3A_105 : memref<1x128x128xf32, #tpu.memory_space<vmem>> -> memref<128x128xf32, #tpu.memory_space<vmem>>
    tpu.wait_dma2 semaphore(%arg8 : memref<!tpu.dma_semaphore, #tpu.memory_space<semaphore_mem>>) src(%dma_wait3A_106 : memref<128x128xf32, #tpu.memory_space<vmem>>) dst(%dma_wait3A_102 : memref<128x128xf32, #tpu.memory_space<hbm>>)
    %dma_start3A_107 = arith.constant 1 : i32
    %dma_start3A_108 = arith.constant 0 : i32
    %dma_start3A_109 = arith.constant 0 : i32
    %dma_start3A_110 = tpu.memref_slice %arg6[%dma_start3A_107, %dma_start3A_108, %dma_start3A_109] : memref<2x128x128xf32, #tpu.memory_space<vmem>> -> memref<1x128x128xf32, #tpu.memory_space<vmem>>
    %dma_start3A_111 = tpu.memref_squeeze %dma_start3A_110 : memref<1x128x128xf32, #tpu.memory_space<vmem>> -> memref<128x128xf32, #tpu.memory_space<vmem>>
    %dma_start3A_112 = arith.constant 384 : i32
    %dma_start3A_113 = tpu.memref_slice %arg5[%dma_start3A_112] : memref<512xi32, #tpu.memory_space<vmem>> -> memref<128xi32, #tpu.memory_space<vmem>>
    %dma_start3A_114 = arith.constant 0 : i32
    %dma_start3A_115 = arith.constant 0 : i32
    %dma_start3A_116 = tpu.memref_slice %arg2[%dma_start3A_114, %dma_start3A_115] : memref<1000000x128xf32, #tpu.memory_space<hbm>> -> memref<1000000x128xf32, #tpu.memory_space<hbm>>
    tpu.enqueue_indirect_dma source(%dma_start3A_116 : memref<1000000x128xf32, #tpu.memory_space<hbm>>) target(%dma_start3A_111 : memref<128x128xf32, #tpu.memory_space<vmem>>) offsets(%dma_start3A_113 : memref<128xi32, #tpu.memory_space<vmem>>) semaphore(%arg7 : memref<!tpu.dma_semaphore, #tpu.memory_space<semaphore_mem>>)
    %dma_wait3A_117 = arith.constant 0 : i32
    %dma_wait3A_118 = arith.constant 0 : i32
    %dma_wait3A_119 = arith.constant 0 : i32
    %dma_wait3A_120 = tpu.memref_slice %arg6[%dma_wait3A_117, %dma_wait3A_118, %dma_wait3A_119] : memref<2x128x128xf32, #tpu.memory_space<vmem>> -> memref<1x128x128xf32, #tpu.memory_space<vmem>>
    %dma_wait3A_121 = tpu.memref_squeeze %dma_wait3A_120 : memref<1x128x128xf32, #tpu.memory_space<vmem>> -> memref<128x128xf32, #tpu.memory_space<vmem>>
    %dma_wait3A_122 = arith.constant 256 : i32
    %dma_wait3A_123 = tpu.memref_slice %arg5[%dma_wait3A_122] : memref<512xi32, #tpu.memory_space<vmem>> -> memref<128xi32, #tpu.memory_space<vmem>>
    %dma_wait3A_124 = arith.constant 0 : i32
    %dma_wait3A_125 = arith.constant 0 : i32
    %dma_wait3A_126 = tpu.memref_slice %arg2[%dma_wait3A_124, %dma_wait3A_125] : memref<1000000x128xf32, #tpu.memory_space<hbm>> -> memref<1000000x128xf32, #tpu.memory_space<hbm>>
    tpu.wait_indirect_dma semaphore(%arg7 : memref<!tpu.dma_semaphore, #tpu.memory_space<semaphore_mem>>) src(%dma_wait3A_126 : memref<1000000x128xf32, #tpu.memory_space<hbm>>) dst(%dma_wait3A_121 : memref<128x128xf32, #tpu.memory_space<vmem>>)
    %add3A_127 = arith.constant 256 : i32
    %add3A_128 = arith.addi %mul3A_2, %add3A_127 : i32
    %dma_start3A_129 = arith.constant 0 : i32
    %dma_start3A_130 = arith.constant 0 : i32
    %dma_start3A_131 = arith.constant 0 : i32
    %dma_start3A_132 = tpu.memref_slice %arg6[%dma_start3A_129, %dma_start3A_130, %dma_start3A_131] : memref<2x128x128xf32, #tpu.memory_space<vmem>> -> memref<1x128x128xf32, #tpu.memory_space<vmem>>
    %dma_start3A_133 = tpu.memref_squeeze %dma_start3A_132 : memref<1x128x128xf32, #tpu.memory_space<vmem>> -> memref<128x128xf32, #tpu.memory_space<vmem>>
    %dma_start3A_134 = arith.constant 0 : i32
    %dma_start3A_135 = tpu.memref_slice %arg4[%add3A_128, %dma_start3A_134] : memref<16384x128xf32, #tpu.memory_space<hbm>> -> memref<128x128xf32, #tpu.memory_space<hbm>>
    %dma_start3A_136 = arith.constant 0 : i32
    %dma_start3A_137 = tpu.memref_slice %arg4[%add3A_128, %dma_start3A_136] : memref<16384x128xf32, #tpu.memory_space<hbm>> -> memref<128x128xf32, #tpu.memory_space<hbm>>
    %dma_start3A_138 = arith.constant 0 : i32
    %dma_start3A_139 = arith.constant 0 : i32
    %dma_start3A_140 = tpu.memref_slice %arg6[%dma_start3A_129, %dma_start3A_138, %dma_start3A_139] : memref<2x128x128xf32, #tpu.memory_space<vmem>> -> memref<1x128x128xf32, #tpu.memory_space<vmem>>
    %dma_start3A_141 = tpu.memref_squeeze %dma_start3A_140 : memref<1x128x128xf32, #tpu.memory_space<vmem>> -> memref<128x128xf32, #tpu.memory_space<vmem>>
    tpu.enqueue_dma source(%dma_start3A_141 : memref<128x128xf32, #tpu.memory_space<vmem>>) target(%dma_start3A_137 : memref<128x128xf32, #tpu.memory_space<hbm>>) target_semaphore(%arg8 : memref<!tpu.dma_semaphore, #tpu.memory_space<semaphore_mem>>)
    %dma_wait3A_142 = arith.constant 1 : i32
    %dma_wait3A_143 = arith.constant 0 : i32
    %dma_wait3A_144 = arith.constant 0 : i32
    %dma_wait3A_145 = tpu.memref_slice %arg6[%dma_wait3A_142, %dma_wait3A_143, %dma_wait3A_144] : memref<2x128x128xf32, #tpu.memory_space<vmem>> -> memref<1x128x128xf32, #tpu.memory_space<vmem>>
    %dma_wait3A_146 = tpu.memref_squeeze %dma_wait3A_145 : memref<1x128x128xf32, #tpu.memory_space<vmem>> -> memref<128x128xf32, #tpu.memory_space<vmem>>
    %dma_wait3A_147 = arith.constant 384 : i32
    %dma_wait3A_148 = tpu.memref_slice %arg5[%dma_wait3A_147] : memref<512xi32, #tpu.memory_space<vmem>> -> memref<128xi32, #tpu.memory_space<vmem>>
    %dma_wait3A_149 = arith.constant 0 : i32
    %dma_wait3A_150 = arith.constant 0 : i32
    %dma_wait3A_151 = tpu.memref_slice %arg2[%dma_wait3A_149, %dma_wait3A_150] : memref<1000000x128xf32, #tpu.memory_space<hbm>> -> memref<1000000x128xf32, #tpu.memory_space<hbm>>
    tpu.wait_indirect_dma semaphore(%arg7 : memref<!tpu.dma_semaphore, #tpu.memory_space<semaphore_mem>>) src(%dma_wait3A_151 : memref<1000000x128xf32, #tpu.memory_space<hbm>>) dst(%dma_wait3A_146 : memref<128x128xf32, #tpu.memory_space<vmem>>)
    %add3A_152 = arith.constant 384 : i32
    %add3A_153 = arith.addi %mul3A_2, %add3A_152 : i32
    %dma_start3A_154 = arith.constant 1 : i32
    %dma_start3A_155 = arith.constant 0 : i32
    %dma_start3A_156 = arith.constant 0 : i32
    %dma_start3A_157 = tpu.memref_slice %arg6[%dma_start3A_154, %dma_start3A_155, %dma_start3A_156] : memref<2x128x128xf32, #tpu.memory_space<vmem>> -> memref<1x128x128xf32, #tpu.memory_space<vmem>>
    %dma_start3A_158 = tpu.memref_squeeze %dma_start3A_157 : memref<1x128x128xf32, #tpu.memory_space<vmem>> -> memref<128x128xf32, #tpu.memory_space<vmem>>
    %dma_start3A_159 = arith.constant 0 : i32
    %dma_start3A_160 = tpu.memref_slice %arg4[%add3A_153, %dma_start3A_159] : memref<16384x128xf32, #tpu.memory_space<hbm>> -> memref<128x128xf32, #tpu.memory_space<hbm>>
    %dma_start3A_161 = arith.constant 0 : i32
    %dma_start3A_162 = tpu.memref_slice %arg4[%add3A_153, %dma_start3A_161] : memref<16384x128xf32, #tpu.memory_space<hbm>> -> memref<128x128xf32, #tpu.memory_space<hbm>>
    %dma_start3A_163 = arith.constant 0 : i32
    %dma_start3A_164 = arith.constant 0 : i32
    %dma_start3A_165 = tpu.memref_slice %arg6[%dma_start3A_154, %dma_start3A_163, %dma_start3A_164] : memref<2x128x128xf32, #tpu.memory_space<vmem>> -> memref<1x128x128xf32, #tpu.memory_space<vmem>>
    %dma_start3A_166 = tpu.memref_squeeze %dma_start3A_165 : memref<1x128x128xf32, #tpu.memory_space<vmem>> -> memref<128x128xf32, #tpu.memory_space<vmem>>
    tpu.enqueue_dma source(%dma_start3A_166 : memref<128x128xf32, #tpu.memory_space<vmem>>) target(%dma_start3A_162 : memref<128x128xf32, #tpu.memory_space<hbm>>) target_semaphore(%arg8 : memref<!tpu.dma_semaphore, #tpu.memory_space<semaphore_mem>>)
    %dma_wait3A_167 = arith.constant 1 : i32
    %dma_wait3A_168 = arith.constant 0 : i32
    %dma_wait3A_169 = arith.constant 0 : i32
    %dma_wait3A_170 = tpu.memref_slice %arg6[%dma_wait3A_167, %dma_wait3A_168, %dma_wait3A_169] : memref<2x128x128xf32, #tpu.memory_space<vmem>> -> memref<1x128x128xf32, #tpu.memory_space<vmem>>
    %dma_wait3A_171 = tpu.memref_squeeze %dma_wait3A_170 : memref<1x128x128xf32, #tpu.memory_space<vmem>> -> memref<128x128xf32, #tpu.memory_space<vmem>>
    %dma_wait3A_172 = arith.constant 0 : i32
    %dma_wait3A_173 = tpu.memref_slice %arg4[%add3A_153, %dma_wait3A_172] : memref<16384x128xf32, #tpu.memory_space<hbm>> -> memref<128x128xf32, #tpu.memory_space<hbm>>
    %dma_wait3A_174 = arith.constant 0 : i32
    %dma_wait3A_175 = tpu.memref_slice %arg4[%add3A_153, %dma_wait3A_174] : memref<16384x128xf32, #tpu.memory_space<hbm>> -> memref<128x128xf32, #tpu.memory_space<hbm>>
    %dma_wait3A_176 = arith.constant 0 : i32
    %dma_wait3A_177 = arith.constant 0 : i32
    %dma_wait3A_178 = tpu.memref_slice %arg6[%dma_wait3A_167, %dma_wait3A_176, %dma_wait3A_177] : memref<2x128x128xf32, #tpu.memory_space<vmem>> -> memref<1x128x128xf32, #tpu.memory_space<vmem>>
    %dma_wait3A_179 = tpu.memref_squeeze %dma_wait3A_178 : memref<1x128x128xf32, #tpu.memory_space<vmem>> -> memref<128x128xf32, #tpu.memory_space<vmem>>
    tpu.wait_dma2 semaphore(%arg8 : memref<!tpu.dma_semaphore, #tpu.memory_space<semaphore_mem>>) src(%dma_wait3A_179 : memref<128x128xf32, #tpu.memory_space<vmem>>) dst(%dma_wait3A_175 : memref<128x128xf32, #tpu.memory_space<hbm>>)
    %dma_wait3A_180 = arith.constant 0 : i32
    %dma_wait3A_181 = arith.constant 0 : i32
    %dma_wait3A_182 = arith.constant 0 : i32
    %dma_wait3A_183 = tpu.memref_slice %arg6[%dma_wait3A_180, %dma_wait3A_181, %dma_wait3A_182] : memref<2x128x128xf32, #tpu.memory_space<vmem>> -> memref<1x128x128xf32, #tpu.memory_space<vmem>>
    %dma_wait3A_184 = tpu.memref_squeeze %dma_wait3A_183 : memref<1x128x128xf32, #tpu.memory_space<vmem>> -> memref<128x128xf32, #tpu.memory_space<vmem>>
    %dma_wait3A_185 = arith.constant 0 : i32
    %dma_wait3A_186 = tpu.memref_slice %arg4[%add3A_128, %dma_wait3A_185] : memref<16384x128xf32, #tpu.memory_space<hbm>> -> memref<128x128xf32, #tpu.memory_space<hbm>>
    %dma_wait3A_187 = arith.constant 0 : i32
    %dma_wait3A_188 = tpu.memref_slice %arg4[%add3A_128, %dma_wait3A_187] : memref<16384x128xf32, #tpu.memory_space<hbm>> -> memref<128x128xf32, #tpu.memory_space<hbm>>
    %dma_wait3A_189 = arith.constant 0 : i32
    %dma_wait3A_190 = arith.constant 0 : i32
    %dma_wait3A_191 = tpu.memref_slice %arg6[%dma_wait3A_180, %dma_wait3A_189, %dma_wait3A_190] : memref<2x128x128xf32, #tpu.memory_space<vmem>> -> memref<1x128x128xf32, #tpu.memory_space<vmem>>
    %dma_wait3A_192 = tpu.memref_squeeze %dma_wait3A_191 : memref<1x128x128xf32, #tpu.memory_space<vmem>> -> memref<128x128xf32, #tpu.memory_space<vmem>>
    tpu.wait_dma2 semaphore(%arg8 : memref<!tpu.dma_semaphore, #tpu.memory_space<semaphore_mem>>) src(%dma_wait3A_192 : memref<128x128xf32, #tpu.memory_space<vmem>>) dst(%dma_wait3A_188 : memref<128x128xf32, #tpu.memory_space<hbm>>)
    return
  }
}

module attributes {stable_mosaic.version = 14 : i64} {
  func.func @mm_kernel(%arg0: i32, %arg1: memref<4096x128xf32, #tpu.memory_space<vmem>>, %arg2: memref<768x128xf32, #tpu.memory_space<vmem>>, %arg3: memref<1x768xf32, #tpu.memory_space<vmem>>, %arg4: memref<32768x1x768xf32, #tpu.memory_space<hbm>>, %arg5: memref<4096x1x768xf32, #tpu.memory_space<vmem>>) attributes {dimension_semantics = [#tpu.dimension_semantics<arbitrary>], iteration_bounds = array<i64: 4>, scalar_prefetch = 0 : i64, scratch_operands = 0 : i64, tpu.core_type = #tpu.core_type<tc>, window_params = [{transform_indices = @transform_0, window_bounds = array<i64: 4096, 128>}, {pipeline_mode = #tpu.pipeline_mode<synchronous>, transform_indices = @transform_1, window_bounds = array<i64: 768, 128>}, {pipeline_mode = #tpu.pipeline_mode<synchronous>, transform_indices = @transform_2, window_bounds = array<i64: 1, 768>}, {}, {transform_indices = @transform_4, window_bounds = array<i64: 4096, 1, 768>}]} {
    %get3A = arith.constant 0 : index
    %get3A_0 = arith.constant 0 : index
    %get3A_1 = vector.load %arg1[%get3A, %get3A_0] : memref<4096x128xf32, #tpu.memory_space<vmem>>, vector<4096x128xf32>
    %get3A_2 = arith.constant 0 : index
    %get3A_3 = arith.constant 0 : index
    %get3A_4 = vector.load %arg2[%get3A_2, %get3A_3] : memref<768x128xf32, #tpu.memory_space<vmem>>, vector<768x128xf32>
    %dot_general3A = arith.constant dense<0.000000e+00> : vector<4096x768xf32>
    %dot_general3A_5 = tpu.matmul %get3A_1, %get3A_4, %dot_general3A {dimension_numbers = #tpu.dot_dimension_numbers<[1], [1], [0], [0], [0, 0, 1, 0], [], []>, transpose_lhs_hint = false} : vector<4096x128xf32>, vector<768x128xf32>, vector<4096x768xf32> -> vector<4096x768xf32>
    %get3A_6 = arith.constant 0 : index
    %get3A_7 = arith.constant 0 : index
    %get3A_8 = vector.load %arg3[%get3A_6, %get3A_7] : memref<1x768xf32, #tpu.memory_space<vmem>>, vector<1x768xf32>
    %add3A = vector.broadcast %get3A_8 : vector<1x768xf32> to vector<4096x768xf32>
    %add3A_9 = arith.addf %dot_general3A_5, %add3A : vector<4096x768xf32>
    %broadcast_in_dim3A = vector.shape_cast %add3A_9 : vector<4096x768xf32> to vector<4096x1x768xf32>
    %swap3A = arith.constant 0 : index
    %swap3A_10 = arith.constant 0 : index
    %swap3A_11 = arith.constant 0 : index
    %swap3A_12 = vector.load %arg5[%swap3A, %swap3A_10, %swap3A_11] : memref<4096x1x768xf32, #tpu.memory_space<vmem>>, vector<4096x1x768xf32>
    tpu.vector_store %arg5[%swap3A, %swap3A_10, %swap3A_11], %broadcast_in_dim3A {strides = array<i32>} : memref<4096x1x768xf32, #tpu.memory_space<vmem>>, vector<4096x1x768xf32>,
    return
  }
  func.func @transform_0(%arg0: i32) -> (i32, i32) {
    %c0_i32 = arith.constant 0 : i32
    %c0_i32_0 = arith.constant 0 : i32
    return %arg0, %c0_i32 : i32, i32
  }
  func.func @transform_1(%arg0: i32) -> (i32, i32) {
    %c0_i32 = arith.constant 0 : i32
    %c0_i32_0 = arith.constant 0 : i32
    %c0_i32_1 = arith.constant 0 : i32
    return %c0_i32, %c0_i32_0 : i32, i32
  }
  func.func @transform_2(%arg0: i32) -> (i32, i32) {
    %c0_i32 = arith.constant 0 : i32
    %c0_i32_0 = arith.constant 0 : i32
    %c0_i32_1 = arith.constant 0 : i32
    return %c0_i32, %c0_i32_0 : i32, i32
  }
  func.func @transform_4(%arg0: i32) -> (i32, i32, i32) {
    %add3A = arith.constant 4 : i32
    %add3A_0 = arith.addi %arg0, %add3A : i32
    %c0_i32 = arith.constant 0 : i32
    %c0_i32_1 = arith.constant 0 : i32
    %c0_i32_2 = arith.constant 0 : i32
    return %add3A_0, %c0_i32, %c0_i32_1 : i32, i32, i32
  }
}

module attributes {stable_mosaic.version = 14 : i64} {
  func.func @mm_kernel_first(%arg0: i32, %arg1: memref<4096x128xf32, #tpu.memory_space<vmem>>, %arg2: memref<768x128xf32, #tpu.memory_space<vmem>>, %arg3: memref<1x768xf32, #tpu.memory_space<vmem>>, %arg4: memref<4096x1x768xf32, #tpu.memory_space<vmem>>) attributes {dimension_semantics = [#tpu.dimension_semantics<arbitrary>], iteration_bounds = array<i64: 4>, scalar_prefetch = 0 : i64, scratch_operands = 0 : i64, tpu.core_type = #tpu.core_type<tc>, window_params = [{transform_indices = @transform_0, window_bounds = array<i64: 4096, 128>}, {pipeline_mode = #tpu.pipeline_mode<synchronous>, transform_indices = @transform_1, window_bounds = array<i64: 768, 128>}, {pipeline_mode = #tpu.pipeline_mode<synchronous>, transform_indices = @transform_2, window_bounds = array<i64: 1, 768>}, {transform_indices = @transform_3, window_bounds = array<i64: 4096, 1, 768>}]} {
    %get3A = arith.constant 0 : index
    %get3A_0 = arith.constant 0 : index
    %get3A_1 = vector.load %arg1[%get3A, %get3A_0] : memref<4096x128xf32, #tpu.memory_space<vmem>>, vector<4096x128xf32>
    %get3A_2 = arith.constant 0 : index
    %get3A_3 = arith.constant 0 : index
    %get3A_4 = vector.load %arg2[%get3A_2, %get3A_3] : memref<768x128xf32, #tpu.memory_space<vmem>>, vector<768x128xf32>
    %dot_general3A = arith.constant dense<0.000000e+00> : vector<4096x768xf32>
    %dot_general3A_5 = tpu.matmul %get3A_1, %get3A_4, %dot_general3A {dimension_numbers = #tpu.dot_dimension_numbers<[1], [1], [0], [0], [0, 0, 1, 0], [], []>, transpose_lhs_hint = false} : vector<4096x128xf32>, vector<768x128xf32>, vector<4096x768xf32> -> vector<4096x768xf32>
    %get3A_6 = arith.constant 0 : index
    %get3A_7 = arith.constant 0 : index
    %get3A_8 = vector.load %arg3[%get3A_6, %get3A_7] : memref<1x768xf32, #tpu.memory_space<vmem>>, vector<1x768xf32>
    %add3A = vector.broadcast %get3A_8 : vector<1x768xf32> to vector<4096x768xf32>
    %add3A_9 = arith.addf %dot_general3A_5, %add3A : vector<4096x768xf32>
    %broadcast_in_dim3A = vector.shape_cast %add3A_9 : vector<4096x768xf32> to vector<4096x1x768xf32>
    %swap3A = arith.constant 0 : index
    %swap3A_10 = arith.constant 0 : index
    %swap3A_11 = arith.constant 0 : index
    %swap3A_12 = vector.load %arg4[%swap3A, %swap3A_10, %swap3A_11] : memref<4096x1x768xf32, #tpu.memory_space<vmem>>, vector<4096x1x768xf32>
    tpu.vector_store %arg4[%swap3A, %swap3A_10, %swap3A_11], %broadcast_in_dim3A {strides = array<i32>} : memref<4096x1x768xf32, #tpu.memory_space<vmem>>, vector<4096x1x768xf32>,
    return
  }
  func.func @transform_0(%arg0: i32) -> (i32, i32) {
    %c0_i32 = arith.constant 0 : i32
    %c0_i32_0 = arith.constant 0 : i32
    return %arg0, %c0_i32 : i32, i32
  }
  func.func @transform_1(%arg0: i32) -> (i32, i32) {
    %c0_i32 = arith.constant 0 : i32
    %c0_i32_0 = arith.constant 0 : i32
    %c0_i32_1 = arith.constant 0 : i32
    return %c0_i32, %c0_i32_0 : i32, i32
  }
  func.func @transform_2(%arg0: i32) -> (i32, i32) {
    %c0_i32 = arith.constant 0 : i32
    %c0_i32_0 = arith.constant 0 : i32
    %c0_i32_1 = arith.constant 0 : i32
    return %c0_i32, %c0_i32_0 : i32, i32
  }
  func.func @transform_3(%arg0: i32) -> (i32, i32, i32) {
    %add3A = arith.constant 0 : i32
    %add3A_0 = arith.addi %arg0, %add3A : i32
    %c0_i32 = arith.constant 0 : i32
    %c0_i32_1 = arith.constant 0 : i32
    %c0_i32_2 = arith.constant 0 : i32
    return %add3A_0, %c0_i32, %c0_i32_1 : i32, i32, i32
  }
}

</mosaic_0001>

<sc_bundles>
// kernel: kernel.6.cloned.1.call-start
scs
__scs_entry_jumppad:
0x0: {  	(pc) =	sbr.rel $0x88, $3  }
0x1: {  	(tag) =	ssettag $0x0;
	lr =	simm.s32 $0x1  }
0x2: {  	[smem:$0x3F9D] =	sst lr;
	_ =	strace $0xD0000000  }
0x3: {  	_ = 	snop  }
0x4: {  	_ = 	snop  }
0x5: {  	_ = 	snop  }
0x6: {  	_ = 	snop  }
0x7: {  	_ = 	snop  }
__scs_overlays_trampoline_lowered:
0x8: {  	[smem:$0x3FAC] =	sst s0  }
0x9: {  	[smem:$0x3FAD] =	sst s1  }
0xa: {  	[smem:$0x3FAE] =	sst s2  }
0xb: {  	[smem:$0x3FAF] =	sst s3  }
0xc: {  	[smem:$0x3FB0] =	sst s4  }
0xd: {  	[smem:$0x3FB1] =	sst s5  }
0xe: {  	[smem:$0x3FB2] =	sst s6  }
0xf: {  	[smem:$0x3FB3] =	sst s7  }
0x10: {  	[smem:$0x3FB4] =	sst s8  }
0x11: {  	[smem:$0x3FB5] =	sst s9;
	s0 =	simm.s32 @!p0 $0x0  }
0x12: {  	s1 =	sld [smem:$0x3F9B];
	s0 =	simm.s32 @p0 $0x1  }
0x13: {  	[smem:$0x3FB6] =	sst s0;
	s0 =	simm.s32 @!p1 $0x0  }
0x14: {  	s2 =	sld [smem:$0x3F9A];
	s0 =	simm.s32 @p1 $0x1  }
0x15: {  	[smem:$0x3FB7] =	sst s0;
	s0 =	simm.s32 @!p2 $0x0  }
0x16: {  	s3 =	sld [smem:$0x3FDB];
	s0 =	simm.s32 @p2 $0x1  }
0x17: {  	s4 =	simm.s32 $0x1BF5;
	[smem:$0x3FB9] =	sst s0  }
0x18: {  	s0 =	sld [smem:$0x3F9C];
	_ =	swait.ge [sflag:s4], $0x0  }
0x19: {  	s7 =	sld [smem:$0x3F9D]  }
0x1a: {  	s8 =	sadd.s32 $0xFFFFE003, lr  }
0x1b: {  	s9 =	sadd.s32 $0xFFFFFEF7, lr;
	s5 =	simm.s32 $0xFFFFFFFF;
	p2 =	slt.u32 s8, $0xFFFFF086  }
0x1c: {  	p1 =	slt.u32 s9, $0xF7A;
	s5 =	simm.s32 @!p2 $0x0  }
0x1d: {  	s5 =	simm.s32 @p1 $0x1;
	p0 =	seq.s32 s7, s2  }
0x1e: {  	s7 =	smul.u32 @!p0 $0xF7A, s2;
	p2 =	seq.s32 @!p0 s5, $0x0  }
0x1f: {  	s9 =	smul.u32 $0xF7A, s1;
	s8 =	simm.s32 @!p0 $0x1BF5;
	p2 =	por !p2, p0  }
0x20: {  	[sflag:s8] =	ssyncset.s32 @!p0 $0xFFFFF086;
	s6 =	sadd.s32 @!p0 s3, s7;
	s7 =	simm.s32 @!p0 $0x108  }
0x21: {  	s3 =	sadd.s32 s3, s9;
	s6 =	sadd.s32 @!p0 $0x88, s6;
	s7 =	simm.s32 @p2 $0x1082  }
0x22: {  	[simem:s7], [sflag:s8] =	dma.local @!p0 [hbm:s6], $0xF7A  }
0x23: {  	s9 =	sor.u32 $0xD0000000, s2;
	s6 =	simm.s32 $0x108;
	_ =	swait.ge @!p0 [sflag:s8], $0x0  }
0x24: {  	s3 =	sadd.s32 $0x88, s3;
	s6 =	simm.s32 @!p1 $0x1082;
	[sflag:s4] =	ssyncset.s32 $0xFFFFF086  }
0x25: {  	[simem:s6], [sflag:s4] =	dma.local [hbm:s3], $0xF7A  }
0x26: {  	[smem:$0x3F9D] =	sst s1;
	(tag) =	ssettag s2;
	_ =	strace s9  }
0x27: {  	s1 =	sld [smem:$0x3FAD]  }
0x28: {  	s2 =	sld [smem:$0x3FAE]  }
0x29: {  	s4 =	sld [smem:$0x3FB0]  }
0x2a: {  	p0 =	seq.s32 s5, $0x0;
	s5 =	sld [smem:$0x3FB1]  }
0x2b: {  	s6 =	sld [smem:$0x3FB2]  }
0x2c: {  	s7 =	sld [smem:$0x3FB3]  }
0x2d: {  	s3 =	simm.s32 $0x108;
	s8 =	sld [smem:$0x3FB4]  }
0x2e: {  	s3 =	simm.s32 @!p0 $0x1082;
	s9 =	sld [smem:$0x3FB5]  }
0x2f: {  	lr =	sadd.s32 s0, s3;
	s0 =	sld [smem:$0x3FAC]  }
0x30: {  	s3 =	sld [smem:$0x3FAF]  }
0x31: {  	[smem:$0x3FB8] =	sst s10  }
0x32: {  	s10 =	sld [smem:$0x3FB6];
	_ =	sdelay $0x3  }
0x33: {  	p0 =	seq.s32 s10, $0x1;
	s10 =	sld [smem:$0x3FB8];
	_ =	sdelay $0x3  }
0x34: {  	[smem:$0x3FB8] =	sst s10  }
0x35: {  	s10 =	sld [smem:$0x3FB7];
	_ =	sdelay $0x3  }
0x36: {  	p1 =	seq.s32 s10, $0x1;
	s10 =	sld [smem:$0x3FB8];
	_ =	sdelay $0x3  }
0x37: {  	[smem:$0x3FB8] =	sst s10  }
0x38: {  	s10 =	sld [smem:$0x3FB9]  }
0x39: {  	_ = 	snop;
	(pc) =	sbr.ind lr, $3  }
0x3a: {  	_ = 	snop  }
0x3b: {  	_ = 	snop  }
0x3c: {  	p2 =	seq.s32 s10, $0x1;
	s10 =	sld [smem:$0x3FB8]  }
0x3d: {  	_ =	shalt  }
0x3e: {  	_ =	shalt  }
0x3f: {  	_ =	shalt  }
0x40: {  	_ =	shalt  }
0x41: {  	_ =	shalt  }
0x42: {  	_ =	shalt  }
0x43: {  	_ =	shalt  }
0x44: {  	_ =	shalt  }
0x45: {  	_ =	shalt  }
0x46: {  	_ =	shalt  }
0x47: {  	_ =	shalt  }
0x48: {  	_ =	shalt  }
0x49: {  	_ =	shalt  }
0x4a: {  	_ =	shalt  }
0x4b: {  	_ =	shalt  }
0x4c: {  	_ =	shalt  }
0x4d: {  	_ =	shalt  }
0x4e: {  	_ =	shalt  }
0x4f: {  	_ =	shalt  }
0x50: {  	_ =	shalt  }
0x51: {  	_ =	shalt  }
0x52: {  	_ =	shalt  }
0x53: {  	_ =	shalt  }
0x54: {  	_ =	shalt  }
0x55: {  	_ =	shalt  }
0x56: {  	_ =	shalt  }
0x57: {  	_ =	shalt  }
0x58: {  	_ =	shalt  }
0x59: {  	_ =	shalt  }
0x5a: {  	_ =	shalt  }
0x5b: {  	_ =	shalt  }
0x5c: {  	_ =	shalt  }
0x5d: {  	_ =	shalt  }
0x5e: {  	_ =	shalt  }
0x5f: {  	_ =	shalt  }
0x60: {  	_ =	shalt  }
0x61: {  	_ =	shalt  }
0x62: {  	_ =	shalt  }
0x63: {  	_ =	shalt  }
0x64: {  	_ =	shalt  }
0x65: {  	_ =	shalt  }
0x66: {  	_ =	shalt  }
0x67: {  	_ =	shalt  }
0x68: {  	_ =	shalt  }
0x69: {  	_ =	shalt  }
0x6a: {  	_ =	shalt  }
0x6b: {  	_ =	shalt  }
0x6c: {  	_ =	shalt  }
0x6d: {  	_ =	shalt  }
0x6e: {  	_ =	shalt  }
0x6f: {  	_ =	shalt  }
0x70: {  	_ =	shalt  }
0x71: {  	_ =	shalt  }
0x72: {  	_ =	shalt  }
0x73: {  	_ =	shalt  }
0x74: {  	_ =	shalt  }
0x75: {  	_ =	shalt  }
0x76: {  	_ =	shalt  }
0x77: {  	_ =	shalt  }
0x78: {  	_ =	shalt  }
0x79: {  	_ =	shalt  }
0x7a: {  	_ =	shalt  }
0x7b: {  	_ =	shalt  }
0x7c: {  	_ =	shalt  }
0x7d: {  	_ =	shalt  }
0x7e: {  	_ =	shalt  }
0x7f: {  	_ =	shalt  }
0x80: {  	_ =	shalt  }
0x81: {  	_ =	shalt  }
0x82: {  	_ =	shalt  }
0x83: {  	_ =	shalt  }
0x84: {  	_ =	shalt  }
0x85: {  	_ =	shalt  }
0x86: {  	_ =	shalt  }
0x87: {  	_ =	shalt  }
.Lfunc_end0:
.L_simem_size_0:
called_computation_lowered:
.L_overlay_start_0:
0x88: {  	s2 =	sld [smem:$0x3FD9]  }
0x89: {  	s3 =	sld [smem:$0x3FFE];
	_ =	sdelay $0x1  }
0x8a: {  	s1 =	srdreg.scid  }
0x8b: {  	s0 =	sand.u32 $0x1, s1  }
0x8c: {  	s17 =	sshll.u32 s0, $0xA;
	s2 =	sadd.s32 s3, s2  }
0x8d: {  	s2 =	sadd.s32 s2, s17  }
0x8e: {  	[smem:$0x3FC4] =	sst s2  }
0x8f: {  	_ = 	snop  }
0x90: {  	s2 =	sld [smem:$0x3FC9]  }
0x91: {  	s18 =	sld [smem:$0x3FD0];
	(tm) =	ssettm $0x1  }
0x92: {  	s4 =	sld [smem:$0x3FFB];
	_ =	sdelay $0x3  }
0x93: {  	_ =	strace s4  }
0x94: {  	s4 =	sld [smem:$0x3FFC];
	_ =	sdelay $0x3  }
0x95: {  	_ =	strace s4  }
0x96: {  	s4 =	sld [smem:$0x3FFD];
	_ =	sdelay $0x3  }
0x97: {  	_ =	strace s4  }
0x98: {  	_ =	strace $0x8FFFFFFF  }
0x99: {  	s19 =	sld [smem:$0x3FDB];
	_ =	sdelay $0x1  }
0x9a: {  	s5 =	simm.s32 $_scs_section_size  }
0x9b: {  	s6 =	simm.s32 $_size__tile_overlayer_lowered;
	s7 =	simm.s32 $_tile_overlayer_lowered  }
0x9c: {  	s22 =	simm.s32 $0x1BFF;
	s21 =	sshll.u32 s7, $0x1;
	s4 =	sadd.s32 s5, s19  }
0x9d: {  	s8 =	simm.s32 $0x0;
	s20 =	sshll.u32 s6, $0x1;
	s6 =	sadd.s32 s21, s4  }
0x9e: {  	[timem:s8], [sflag:s22] =	dma.local [hbm:s6], s20  }
0x9f: {  	_ =	swait.ge [sflag:s22], s20  }
0xa0: {  	s5 =	ssub.s32 $0x0, s20;
	[sflag:s22] =	ssyncset.done $0x0  }
0xa1: {  	[sflag:s22] =	ssyncadd.s32 s5;
	_ =	sdelay $0x1  }
0xa2: {  	s23 =	simm.s32 $0x1B8B  }
0xa3: {  	_ =	swait.ge [sflag:s23], $0x1  }
0xa4: {  	[sflag:s23] =	ssyncset.done $0x0  }
0xa5: {  	s25 =	simm.s32 $0x1B8E;
	s24 =	sld [smem:$0x3FFE];
	[sflag:s23] =	ssyncadd.s32 $0xFFFFFFFF  }
0xa6: {  	s26 =	simm.s32 $execute0_lowered;
	[smem:$0x3FD2] =	sst s25  }
0xa7: {  	s6 =	sshll.u32 s26, $0x1;
	_ =	strace $0x80000046;
	[dreg:$0x1] =	wrdreg $0xFFFFFFFF  }
0xa8: {  	s28 =	simm.s32 $_size_execute0_lowered;
	s4 =	sadd.s32 s4, s6;
	[dreg:$0x0] =	wrdreg $0x0  }
0xa9: {  	s6 =	sshll.u32 s28, $0x1;
	[dreg:$0x2] =	wrdreg s4  }
0xaa: {  	[dreg:$0x3] =	wrdreg s6  }
0xab: {  	[dreg:$0x4] =	wrdreg $0xC0  }
0xac: {  	_ =	task [dreg:s8], $0x5FFFF  }
0xad: {  	[dreg:$0x1] =	wrdreg $0xFFFFFFFF  }
0xae: {  	[dreg:$0x0] =	wrdreg $0x60  }
0xaf: {  	[dreg:$0x2] =	wrdreg s2  }
0xb0: {  	[dreg:$0x3] =	wrdreg s24  }
0xb1: {  	[dreg:$0x4] =	wrdreg s18  }
0xb2: {  	[dreg:$0x5] =	wrdreg $0x9  }
0xb3: {  	_ =	task.clear_ibuf [dreg:s8], $0x6FFFF;
	_ =	strace $0x90000046  }
0xb4: {  	s29 =	simm.s32 $0x9;
	_ =	strace $0x80000048  }
0xb5: {  	_ =	swait.ge [sflag:s29], $0x1  }
0xb6: {  	[sflag:s29] =	ssyncadd.s32 $0xFFFFFFFF  }
0xb7: {  	_ =	strace $0x90000048  }
0xb8: {  	_ =	sfence  }
0xb9: {  	s30 =	sld [smem:$0x0];
	_ =	sdelay $0x2  }
0xba: {  	s31 =	sshll.u32 s1, $0xD;
	s1 =	sshrl.u32 s1, $0x2  }
0xbb: {  	s3 =	sand.u32 $0x4000, s31;
	s1 =	sadd.s32 s1, s30  }
0xbc: {  	s0 =	sor.u32 s3, s0;
	s1 =	sshll.u32 s1, $0x11  }
0xbd: {  	s0 =	sor.u32 s1, s0  }
0xbe: {  	s0 =	sadd.s32 $0x8F2B, s0  }
0xbf: {  	[sflag:s0] =	ssyncadd.remote.s32 $0x1  }
0xc0: {  	_ =	sfence.sel $0xFFFF  }
0xc1: {  	[dreg:$0x0] =	wrdreg $0xFFFFFFFF;
	(pc) =	sbr.abs _section_cstart, $3  }
0xc2: {  	[dreg:$0x1] =	wrdreg $0xFFFFFFFF  }
0xc3: {  	_ =	task.clear_ibuf [dreg:s8], $0x2FFFF;
	_ =	strace $0x9FFFFFFF  }
0xc4: {  	(tm) =	ssettm $0x7FFFFFFF  }
0xc5: {  	_ =	shalt  }
tec
execute0_lowered:
.L_overlay_start_1:
0x0: {  	(tag) =	ssettag $0x1  }
0x1: {  	s2 =	srdreg.scid  }
0x2: {  	s1 =	rddreg [dreg:$0x0];
	s0 =	stileid.u32;
	s16 =	sand.u32 $0x1, s2  }
0x3: {  	s4 =	rddreg [dreg:$0x1];
	s31 =	sshll.u32 s0, $0xA;
	s3 =	sshll.u32 s16, $0x9  }
0x4: {  	s10 =	rddreg [dreg:$0x2];
	s11 =	sor.u32 s3, s31  }
0x5: {  	s2 =	rddreg [dreg:$0x3];
	s3 =	simm.s32 $0x0;
	s5 =	sshrl.u32 s11, $0x3  }
0x6: {  	[smem:$0x7FF] =	sst s3;
	s4 =	sadd.s32 s5, s4  }
0x7: {  	_ =	strace $0x80000047;
	s5 =	simm.s32 $0x3;
	s4 =	sadd.s32 $0x1C00, s4  }
0x8: {  	[tilespmem:s3], [sflag:$0x3] =	stream.linear.gather [hbm4b:s4+s3], $0x200, $0x38;
	[tilespmem:$0x8200] =	vst v63  }
0x9: {  	_ =	swait.ge [sflag:s5], $0x200  }
0xa: {  	[sflag:s5] =	ssyncset.done $0x0  }
0xb: {  	s6 =	simm.s32 $0x80;
	s7 =	simm.s32 $0x200;
	[sflag:s5] =	ssyncadd.s32 $0xFFFFFE00  }
0xc: {  	[tilespmem:s7], [sflag:$0x1] =	stream.indirect.gather [hbm4b:s1+s6], $0x80, s3, s6, $0xb8;
	[tilespmem:$0x8200] =	vst v63  }
0xd: {  	s8 =	simm.s32 $0x4200;
	s9 =	simm.s32 $0x1  }
0xe: {  	[tilespmem:s8], [sflag:$0x1] =	stream.indirect.gather [hbm4b:s1+s6], $0x80, s6, s6, $0xb8;
	[tilespmem:$0x8200] =	vst v63  }
0xf: {  	_ =	swait.ge [sflag:s9], $0x4000  }
0x10: {  	s11 =	sshll.u32 s11, $0x4;
	[sflag:s9] =	ssyncset.done $0x0  }
0x11: {  	s11 =	sadd.s32 s10, s11;
	s10 =	simm.s32 $0x2;
	[sflag:s9] =	ssyncadd.s32 $0xFFFFC000  }
0x12: {  	[hbm4b:s11+s3] =	stream.linear.scatter [tilespmem:s7], [sflag:$0x2], $0x4000, $0x38;
	[tilespmem:$0x8200] =	vst v63  }
0x13: {  	_ =	swait.ge [sflag:s10], $0x4000  }
0x14: {  	[sflag:s10] =	ssyncset.done $0x0  }
0x15: {  	s12 =	simm.s32 $0x100;
	[sflag:s10] =	ssyncadd.s32 $0xFFFFC000  }
0x16: {  	[tilespmem:s7], [sflag:$0x1] =	stream.indirect.gather [hbm4b:s1+s6], $0x80, s12, s6, $0xb8;
	[tilespmem:$0x8200] =	vst v63  }
0x17: {  	_ =	swait.ge [sflag:s9], $0x4000  }
0x18: {  	[sflag:s9] =	ssyncset.done $0x0  }
0x19: {  	s13 =	sadd.s32 $0x800, s11;
	[sflag:s9] =	ssyncadd.s32 $0xFFFFC000  }
0x1a: {  	[hbm4b:s13+s3] =	stream.linear.scatter [tilespmem:s8], [sflag:$0x2], $0x4000, $0x38;
	[tilespmem:$0x8200] =	vst v63  }
0x1b: {  	_ =	swait.ge [sflag:s10], $0x4000  }
0x1c: {  	[sflag:s10] =	ssyncset.done $0x0  }
0x1d: {  	s14 =	simm.s32 $0x180;
	[sflag:s10] =	ssyncadd.s32 $0xFFFFC000  }
0x1e: {  	[tilespmem:s8], [sflag:$0x1] =	stream.indirect.gather [hbm4b:s1+s6], $0x80, s14, s6, $0xb8;
	[tilespmem:$0x8200] =	vst v63  }
0x1f: {  	_ =	swait.ge [sflag:s9], $0x4000  }
0x20: {  	s17 =	ssub.s32 $0x2, s16;
	[sflag:s9] =	ssyncset.done $0x0  }
0x21: {  	s18 =	sshrl.u32 s17, $0x1;
	s15 =	sadd.s32 $0x1000, s11;
	[sflag:s9] =	ssyncadd.s32 $0xFFFFC000  }
0x22: {  	[hbm4b:s15+s3] =	stream.linear.scatter [tilespmem:s7], [sflag:$0x2], $0x4000, $0x38;
	[tilespmem:$0x8200] =	vst v63  }
0x23: {  	s17 =	ssub.s32 s17, s18;
	_ =	swait.ge [sflag:s9], $0x4000  }
0x24: {  	s17 =	smax.u32 s17, $0x1;
	[sflag:s9] =	ssyncset.done $0x0  }
0x25: {  	s16 =	sadd.s32 $0x1800, s11;
	p0 =	sne.s32 s17, $0x1;
	[sflag:s9] =	ssyncadd.s32 $0xFFFFC000  }
0x26: {  	[hbm4b:s16+s3] =	stream.linear.scatter [tilespmem:s8], [sflag:$0x2], $0x4000, $0x38;
	[tilespmem:$0x8200] =	vst v63  }
.Ltmp0:
0x27: {  	_ =	swait.ge [sflag:s10], $0x4000;
	(pc) =	sbr.rel @!p0 .LBB2_2-.Ltmp0, $4  }
0x28: {  	[sflag:s10] =	ssyncset.done $0x0  }
0x29: {  	[sflag:s10] =	ssyncadd.s32 $0xFFFFC000  }
0x2a: {  	_ =	swait.ge [sflag:s10], $0x4000  }
0x2b: {  	s17 =	sadd.s32 $0xFFFFFFFF, s17;
	[sflag:s10] =	ssyncset.done $0x0  }
.LBB2_1:
0x2c: {  	p0 =	sne.s32 s17, $0x1;
	s17 =	sadd.s32 $0xFFFFFFFF, s17;
	[sflag:s10] =	ssyncadd.s32 $0xFFFFC000  }
0x2d: {  	[tilespmem:s3], [sflag:$0x3] =	stream.linear.gather [hbm4b:s4+s3], $0x200, $0x38;
	[tilespmem:$0x8200] =	vst v63  }
0x2e: {  	_ =	swait.ge [sflag:s5], $0x200  }
0x2f: {  	[sflag:s5] =	ssyncset.done $0x0  }
0x30: {  	[sflag:s5] =	ssyncadd.s32 $0xFFFFFE00  }
0x31: {  	[tilespmem:s7], [sflag:$0x1] =	stream.indirect.gather [hbm4b:s1+s6], $0x80, s3, s6, $0xb8;
	[tilespmem:$0x8200] =	vst v63  }
0x32: {  	_ = 	snop  }
0x33: {  	[tilespmem:s8], [sflag:$0x1] =	stream.indirect.gather [hbm4b:s1+s6], $0x80, s6, s6, $0xb8;
	[tilespmem:$0x8200] =	vst v63  }
0x34: {  	_ =	swait.ge [sflag:s9], $0x4000  }
0x35: {  	[sflag:s9] =	ssyncset.done $0x0  }
0x36: {  	[sflag:s9] =	ssyncadd.s32 $0xFFFFC000  }
0x37: {  	[hbm4b:s11+s3] =	stream.linear.scatter [tilespmem:s7], [sflag:$0x2], $0x4000, $0x38;
	[tilespmem:$0x8200] =	vst v63  }
0x38: {  	_ =	swait.ge [sflag:s10], $0x4000  }
0x39: {  	[sflag:s10] =	ssyncset.done $0x0  }
0x3a: {  	[sflag:s10] =	ssyncadd.s32 $0xFFFFC000  }
0x3b: {  	[tilespmem:s7], [sflag:$0x1] =	stream.indirect.gather [hbm4b:s1+s6], $0x80, s12, s6, $0xb8;
	[tilespmem:$0x8200] =	vst v63  }
0x3c: {  	_ =	swait.ge [sflag:s9], $0x4000  }
0x3d: {  	[sflag:s9] =	ssyncset.done $0x0  }
0x3e: {  	[sflag:s9] =	ssyncadd.s32 $0xFFFFC000  }
0x3f: {  	[hbm4b:s13+s3] =	stream.linear.scatter [tilespmem:s8], [sflag:$0x2], $0x4000, $0x38;
	[tilespmem:$0x8200] =	vst v63  }
0x40: {  	_ =	swait.ge [sflag:s10], $0x4000  }
0x41: {  	[sflag:s10] =	ssyncset.done $0x0  }
0x42: {  	[sflag:s10] =	ssyncadd.s32 $0xFFFFC000  }
0x43: {  	[tilespmem:s8], [sflag:$0x1] =	stream.indirect.gather [hbm4b:s1+s6], $0x80, s14, s6, $0xb8;
	[tilespmem:$0x8200] =	vst v63  }
0x44: {  	_ =	swait.ge [sflag:s9], $0x4000  }
0x45: {  	[sflag:s9] =	ssyncset.done $0x0  }
0x46: {  	[sflag:s9] =	ssyncadd.s32 $0xFFFFC000  }
0x47: {  	[hbm4b:s15+s3] =	stream.linear.scatter [tilespmem:s7], [sflag:$0x2], $0x4000, $0x38;
	[tilespmem:$0x8200] =	vst v63  }
0x48: {  	_ =	swait.ge [sflag:s9], $0x4000  }
0x49: {  	[sflag:s9] =	ssyncset.done $0x0  }
0x4a: {  	[sflag:s9] =	ssyncadd.s32 $0xFFFFC000  }
0x4b: {  	[hbm4b:s16+s3] =	stream.linear.scatter [tilespmem:s8], [sflag:$0x2], $0x4000, $0x38;
	[tilespmem:$0x8200] =	vst v63  }
.Ltmp1:
0x4c: {  	_ =	swait.ge [sflag:s10], $0x4000;
	(pc) =	sbr.rel @p0 .LBB2_1-.Ltmp1, $4  }
0x4d: {  	[sflag:s10] =	ssyncset.done $0x0  }
0x4e: {  	[sflag:s10] =	ssyncadd.s32 $0xFFFFC000  }
0x4f: {  	_ =	swait.ge [sflag:s10], $0x4000  }
0x50: {  	[sflag:s10] =	ssyncset.done $0x0  }
.LBB2_2:
0x51: {  	[sflag:s10] =	ssyncadd.s32 $0xFFFFC000  }
0x52: {  	_ =	sfence.sel $0x180000  }
0x53: {  	[bflag:$0x0] =	sbarrier.arrive $0xFFFF  }
0x54: {  	p0 =	sne.s32 s0, $0x0;
	_ =	strace $0x90000047  }
0x55: {  	s0 =	sadd.s32 @!p0 $0x100000, s2;
	[bflag:$0x2] =	sbarrier.arrive $0xFFFF  }
0x56: {  	[sflag:s0] =	ssyncadd.tile.s32 @!p0 $0x1;
	_ =	shalt  }
.Lfunc_end2:
_tile_overlayer_lowered:
.L_overlay_start_2:
0x57: {  	(tag) =	ssettag $0x2  }
0x58: {  	s0 =	rddreg [dreg:$0x0];
	s2 =	stileid.u32  }
0x59: {  	s1 =	rddreg [dreg:$0x1];
	p0 =	sne.s32 s2, $0x0  }
0x5a: {  	s3 =	rddreg [dreg:$0x2];
	[bflag:$0x3] =	sbarrier.arrive $0xFFFF;
	s2 =	simm.s32 @!p0 $0x1C03  }
0x5b: {  	[timem:s3], [sflag:s2] =	dma.local @!p0 [hbm:s0], s1  }
0x5c: {  	s0 =	simm.s32 @!p0 $0x3  }
0x5d: {  	_ =	swait.ge @!p0 [sflag:s0], s1  }
0x5e: {  	s1 =	ssub.s32 @!p0 $0x0, s1;
	[sflag:s0] =	ssyncset.done @!p0 $0x0  }
0x5f: {  	[sflag:s0] =	ssyncadd.s32 @!p0 s1  }
0x60: {  	[bflag:$0x3] =	sbarrier.arrive $0xFFFF  }
0x61: {  	_ =	shalt  }

// kernel: kernel.9.cloned.1.call-start
scs
__scs_entry_jumppad:
0x0: {  	(pc) =	sbr.rel $0x88, $3  }
0x1: {  	(tag) =	ssettag $0x0;
	lr =	simm.s32 $0x1  }
0x2: {  	[smem:$0x3F9D] =	sst lr;
	_ =	strace $0xD0000000  }
0x3: {  	_ = 	snop  }
0x4: {  	_ = 	snop  }
0x5: {  	_ = 	snop  }
0x6: {  	_ = 	snop  }
0x7: {  	_ = 	snop  }
__scs_overlays_trampoline_lowered:
0x8: {  	[smem:$0x3FAC] =	sst s0  }
0x9: {  	[smem:$0x3FAD] =	sst s1  }
0xa: {  	[smem:$0x3FAE] =	sst s2  }
0xb: {  	[smem:$0x3FAF] =	sst s3  }
0xc: {  	[smem:$0x3FB0] =	sst s4  }
0xd: {  	[smem:$0x3FB1] =	sst s5  }
0xe: {  	[smem:$0x3FB2] =	sst s6  }
0xf: {  	[smem:$0x3FB3] =	sst s7  }
0x10: {  	[smem:$0x3FB4] =	sst s8  }
0x11: {  	[smem:$0x3FB5] =	sst s9;
	s0 =	simm.s32 @!p0 $0x0  }
0x12: {  	s1 =	sld [smem:$0x3F9B];
	s0 =	simm.s32 @p0 $0x1  }
0x13: {  	[smem:$0x3FB6] =	sst s0;
	s0 =	simm.s32 @!p1 $0x0  }
0x14: {  	s2 =	sld [smem:$0x3F9A];
	s0 =	simm.s32 @p1 $0x1  }
0x15: {  	[smem:$0x3FB7] =	sst s0;
	s0 =	simm.s32 @!p2 $0x0  }
0x16: {  	s3 =	sld [smem:$0x3FDB];
	s0 =	simm.s32 @p2 $0x1  }
0x17: {  	s4 =	simm.s32 $0x1BF5;
	[smem:$0x3FB9] =	sst s0  }
0x18: {  	s0 =	sld [smem:$0x3F9C];
	_ =	swait.ge [sflag:s4], $0x0  }
0x19: {  	s7 =	sld [smem:$0x3F9D]  }
0x1a: {  	s8 =	sadd.s32 $0xFFFFE003, lr  }
0x1b: {  	s9 =	sadd.s32 $0xFFFFFEF7, lr;
	s5 =	simm.s32 $0xFFFFFFFF;
	p2 =	slt.u32 s8, $0xFFFFF086  }
0x1c: {  	p1 =	slt.u32 s9, $0xF7A;
	s5 =	simm.s32 @!p2 $0x0  }
0x1d: {  	s5 =	simm.s32 @p1 $0x1;
	p0 =	seq.s32 s7, s2  }
0x1e: {  	s7 =	smul.u32 @!p0 $0xF7A, s2;
	p2 =	seq.s32 @!p0 s5, $0x0  }
0x1f: {  	s9 =	smul.u32 $0xF7A, s1;
	s8 =	simm.s32 @!p0 $0x1BF5;
	p2 =	por !p2, p0  }
0x20: {  	[sflag:s8] =	ssyncset.s32 @!p0 $0xFFFFF086;
	s6 =	sadd.s32 @!p0 s3, s7;
	s7 =	simm.s32 @!p0 $0x108  }
0x21: {  	s3 =	sadd.s32 s3, s9;
	s6 =	sadd.s32 @!p0 $0x88, s6;
	s7 =	simm.s32 @p2 $0x1082  }
0x22: {  	[simem:s7], [sflag:s8] =	dma.local @!p0 [hbm:s6], $0xF7A  }
0x23: {  	s9 =	sor.u32 $0xD0000000, s2;
	s6 =	simm.s32 $0x108;
	_ =	swait.ge @!p0 [sflag:s8], $0x0  }
0x24: {  	s3 =	sadd.s32 $0x88, s3;
	s6 =	simm.s32 @!p1 $0x1082;
	[sflag:s4] =	ssyncset.s32 $0xFFFFF086  }
0x25: {  	[simem:s6], [sflag:s4] =	dma.local [hbm:s3], $0xF7A  }
0x26: {  	[smem:$0x3F9D] =	sst s1;
	(tag) =	ssettag s2;
	_ =	strace s9  }
0x27: {  	s1 =	sld [smem:$0x3FAD]  }
0x28: {  	s2 =	sld [smem:$0x3FAE]  }
0x29: {  	s4 =	sld [smem:$0x3FB0]  }
0x2a: {  	p0 =	seq.s32 s5, $0x0;
	s5 =	sld [smem:$0x3FB1]  }
0x2b: {  	s6 =	sld [smem:$0x3FB2]  }
0x2c: {  	s7 =	sld [smem:$0x3FB3]  }
0x2d: {  	s3 =	simm.s32 $0x108;
	s8 =	sld [smem:$0x3FB4]  }
0x2e: {  	s3 =	simm.s32 @!p0 $0x1082;
	s9 =	sld [smem:$0x3FB5]  }
0x2f: {  	lr =	sadd.s32 s0, s3;
	s0 =	sld [smem:$0x3FAC]  }
0x30: {  	s3 =	sld [smem:$0x3FAF]  }
0x31: {  	[smem:$0x3FB8] =	sst s10  }
0x32: {  	s10 =	sld [smem:$0x3FB6];
	_ =	sdelay $0x3  }
0x33: {  	p0 =	seq.s32 s10, $0x1;
	s10 =	sld [smem:$0x3FB8];
	_ =	sdelay $0x3  }
0x34: {  	[smem:$0x3FB8] =	sst s10  }
0x35: {  	s10 =	sld [smem:$0x3FB7];
	_ =	sdelay $0x3  }
0x36: {  	p1 =	seq.s32 s10, $0x1;
	s10 =	sld [smem:$0x3FB8];
	_ =	sdelay $0x3  }
0x37: {  	[smem:$0x3FB8] =	sst s10  }
0x38: {  	s10 =	sld [smem:$0x3FB9]  }
0x39: {  	_ = 	snop;
	(pc) =	sbr.ind lr, $3  }
0x3a: {  	_ = 	snop  }
0x3b: {  	_ = 	snop  }
0x3c: {  	p2 =	seq.s32 s10, $0x1;
	s10 =	sld [smem:$0x3FB8]  }
0x3d: {  	_ =	shalt  }
0x3e: {  	_ =	shalt  }
0x3f: {  	_ =	shalt  }
0x40: {  	_ =	shalt  }
0x41: {  	_ =	shalt  }
0x42: {  	_ =	shalt  }
0x43: {  	_ =	shalt  }
0x44: {  	_ =	shalt  }
0x45: {  	_ =	shalt  }
0x46: {  	_ =	shalt  }
0x47: {  	_ =	shalt  }
0x48: {  	_ =	shalt  }
0x49: {  	_ =	shalt  }
0x4a: {  	_ =	shalt  }
0x4b: {  	_ =	shalt  }
0x4c: {  	_ =	shalt  }
0x4d: {  	_ =	shalt  }
0x4e: {  	_ =	shalt  }
0x4f: {  	_ =	shalt  }
0x50: {  	_ =	shalt  }
0x51: {  	_ =	shalt  }
0x52: {  	_ =	shalt  }
0x53: {  	_ =	shalt  }
0x54: {  	_ =	shalt  }
0x55: {  	_ =	shalt  }
0x56: {  	_ =	shalt  }
0x57: {  	_ =	shalt  }
0x58: {  	_ =	shalt  }
0x59: {  	_ =	shalt  }
0x5a: {  	_ =	shalt  }
0x5b: {  	_ =	shalt  }
0x5c: {  	_ =	shalt  }
0x5d: {  	_ =	shalt  }
0x5e: {  	_ =	shalt  }
0x5f: {  	_ =	shalt  }
0x60: {  	_ =	shalt  }
0x61: {  	_ =	shalt  }
0x62: {  	_ =	shalt  }
0x63: {  	_ =	shalt  }
0x64: {  	_ =	shalt  }
0x65: {  	_ =	shalt  }
0x66: {  	_ =	shalt  }
0x67: {  	_ =	shalt  }
0x68: {  	_ =	shalt  }
0x69: {  	_ =	shalt  }
0x6a: {  	_ =	shalt  }
0x6b: {  	_ =	shalt  }
0x6c: {  	_ =	shalt  }
0x6d: {  	_ =	shalt  }
0x6e: {  	_ =	shalt  }
0x6f: {  	_ =	shalt  }
0x70: {  	_ =	shalt  }
0x71: {  	_ =	shalt  }
0x72: {  	_ =	shalt  }
0x73: {  	_ =	shalt  }
0x74: {  	_ =	shalt  }
0x75: {  	_ =	shalt  }
0x76: {  	_ =	shalt  }
0x77: {  	_ =	shalt  }
0x78: {  	_ =	shalt  }
0x79: {  	_ =	shalt  }
0x7a: {  	_ =	shalt  }
0x7b: {  	_ =	shalt  }
0x7c: {  	_ =	shalt  }
0x7d: {  	_ =	shalt  }
0x7e: {  	_ =	shalt  }
0x7f: {  	_ =	shalt  }
0x80: {  	_ =	shalt  }
0x81: {  	_ =	shalt  }
0x82: {  	_ =	shalt  }
0x83: {  	_ =	shalt  }
0x84: {  	_ =	shalt  }
0x85: {  	_ =	shalt  }
0x86: {  	_ =	shalt  }
0x87: {  	_ =	shalt  }
.Lfunc_end0:
.L_simem_size_0:
called_computation.1_lowered:
.L_overlay_start_0:
0x88: {  	s2 =	sld [smem:$0x3FD9]  }
0x89: {  	s3 =	sld [smem:$0x3FFE];
	_ =	sdelay $0x1  }
0x8a: {  	s1 =	srdreg.scid  }
0x8b: {  	s0 =	sand.u32 $0x1, s1  }
0x8c: {  	s17 =	sshll.u32 s0, $0xA;
	s2 =	sadd.s32 s3, s2  }
0x8d: {  	s2 =	sadd.s32 s2, s17  }
0x8e: {  	[smem:$0x3FC4] =	sst s2  }
0x8f: {  	_ = 	snop  }
0x90: {  	s18 =	sld [smem:$0x3FC9];
	(tm) =	ssettm $0x1  }
0x91: {  	s19 =	sld [smem:$0x3FFB];
	_ =	sdelay $0x3  }
0x92: {  	_ =	strace s19  }
0x93: {  	s2 =	sld [smem:$0x3FFC];
	_ =	sdelay $0x3  }
0x94: {  	_ =	strace s2  }
0x95: {  	s2 =	sld [smem:$0x3FFD];
	_ =	sdelay $0x3  }
0x96: {  	_ =	strace s2  }
0x97: {  	_ =	strace $0x8FFFFFFF  }
0x98: {  	s20 =	sld [smem:$0x3FDB];
	_ =	sdelay $0x1  }
0x99: {  	s4 =	simm.s32 $_scs_section_size  }
0x9a: {  	s5 =	simm.s32 $_size__tile_overlayer_lowered;
	s6 =	simm.s32 $_tile_overlayer_lowered  }
0x9b: {  	s7 =	simm.s32 $0x1BFF;
	s21 =	sshll.u32 s6, $0x1;
	s4 =	sadd.s32 s4, s20  }
0x9c: {  	s22 =	simm.s32 $0x0;
	s5 =	sshll.u32 s5, $0x1;
	s6 =	sadd.s32 s21, s4  }
0x9d: {  	[timem:s22], [sflag:s7] =	dma.local [hbm:s6], s5  }
0x9e: {  	_ =	swait.ge [sflag:s7], s5  }
0x9f: {  	s5 =	ssub.s32 $0x0, s5;
	[sflag:s7] =	ssyncset.done $0x0  }
0xa0: {  	[sflag:s7] =	ssyncadd.s32 s5;
	_ =	sdelay $0x1  }
0xa1: {  	s23 =	simm.s32 $0x1B8B  }
0xa2: {  	_ =	swait.ge [sflag:s23], $0x1  }
0xa3: {  	[sflag:s23] =	ssyncset.done $0x0  }
0xa4: {  	[sflag:s23] =	ssyncadd.s32 $0xFFFFFFFF  }
0xa5: {  	s5 =	sld [smem:$0x0]  }
0xa6: {  	s6 =	sand.u32 $0xFFFFFFFE, s1  }
0xa7: {  	p0 =	sne.s32 s1, s6  }
0xa8: {  	s6 =	sshll.u32 @p0 s6, $0xE  }
0xa9: {  	s6 =	sadd.s32 @p0 $0x11B8D, s6;
	s7 =	sshll.u32 @p0 s5, $0x11  }
0xaa: {  	s6 =	sor.u32 @p0 s7, s6  }
0xab: {  	[sflag:s6] =	ssyncadd.remote.s32 @p0 $0x1;
	_ =	sdelay $0x1  }
0xac: {  	s6 =	simm.s32 @p0 $0x1B8D  }
0xad: {  	_ =	swait.eq @p0 [sflag:s6], $0x1  }
0xae: {  	[sflag:s6] =	ssyncadd.s32 @p0 $0xFFFFFFFF  }
0xaf: {  	s7 =	sshll.u32 @!p0 s1, $0xE  }
0xb0: {  	s7 =	sor.u32 @!p0 $0x4000, s7;
	s6 =	simm.s32 @!p0 $0x1B8D  }
0xb1: {  	s5 =	sshll.u32 @!p0 s5, $0x11;
	s7 =	sadd.s32 @!p0 $0x11B8D, s7;
	_ =	swait.eq @!p0 [sflag:s6], $0x1  }
0xb2: {  	s5 =	sor.u32 @!p0 s5, s7;
	[sflag:s6] =	ssyncadd.s32 @!p0 $0xFFFFFFFF  }
0xb3: {  	s25 =	simm.s32 $0x1B8E;
	s24 =	sld [smem:$0x3FFE];
	[sflag:s5] =	ssyncadd.remote.s32 @!p0 $0x1  }
0xb4: {  	s26 =	simm.s32 $execute0_lowered;
	[smem:$0x3FD2] =	sst s25  }
0xb5: {  	s6 =	sshll.u32 s26, $0x1;
	_ =	strace $0x80000049;
	[dreg:$0x1] =	wrdreg $0xFFFFFFFF  }
0xb6: {  	s28 =	simm.s32 $_size_execute0_lowered;
	s4 =	sadd.s32 s4, s6;
	[dreg:$0x0] =	wrdreg $0x0  }
0xb7: {  	s6 =	sshll.u32 s28, $0x1;
	[dreg:$0x2] =	wrdreg s4  }
0xb8: {  	[dreg:$0x3] =	wrdreg s6  }
0xb9: {  	[dreg:$0x4] =	wrdreg $0xC0  }
0xba: {  	_ =	task [dreg:s22], $0x5FFFF  }
0xbb: {  	[dreg:$0x1] =	wrdreg $0xFFFFFFFF  }
0xbc: {  	[dreg:$0x0] =	wrdreg $0x60  }
0xbd: {  	[dreg:$0x2] =	wrdreg s18  }
0xbe: {  	[dreg:$0x3] =	wrdreg s24  }
0xbf: {  	[dreg:$0x4] =	wrdreg $0xA  }
0xc0: {  	_ =	task.clear_ibuf [dreg:s22], $0x5FFFF;
	_ =	strace $0x90000049  }
0xc1: {  	s29 =	simm.s32 $0xA;
	_ =	strace $0x8000004B  }
0xc2: {  	_ =	swait.ge [sflag:s29], $0x1  }
0xc3: {  	[sflag:s29] =	ssyncadd.s32 $0xFFFFFFFF  }
0xc4: {  	_ =	strace $0x9000004B  }
0xc5: {  	_ =	sfence  }
0xc6: {  	s30 =	sld [smem:$0x0];
	_ =	sdelay $0x2  }
0xc7: {  	s31 =	sshll.u32 s1, $0xD;
	s1 =	sshrl.u32 s1, $0x2  }
0xc8: {  	s4 =	sand.u32 $0x4000, s31;
	s1 =	sadd.s32 s1, s30  }
0xc9: {  	s0 =	sor.u32 s4, s0;
	s1 =	sshll.u32 s1, $0x11  }
0xca: {  	s0 =	sor.u32 s1, s0  }
0xcb: {  	s0 =	sadd.s32 $0x8F2B, s0  }
0xcc: {  	[sflag:s0] =	ssyncadd.remote.s32 $0x1  }
0xcd: {  	_ =	sfence.sel $0xFFFF  }
0xce: {  	[dreg:$0x0] =	wrdreg $0xFFFFFFFF;
	(pc) =	sbr.abs _section_cstart, $3  }
0xcf: {  	[dreg:$0x1] =	wrdreg $0xFFFFFFFF  }
0xd0: {  	_ =	task.clear_ibuf [dreg:s22], $0x2FFFF;
	_ =	strace $0x9FFFFFFF  }
0xd1: {  	(tm) =	ssettm $0x7FFFFFFF  }
tec
execute0_lowered:
.L_overlay_start_1:
0x0: {  	(tag) =	ssettag $0x1  }
0x1: {  	s1 =	srdreg.scid  }
0x2: {  	s0 =	stileid.u32;
	s16 =	sand.u32 $0x1, s1  }
0x3: {  	s30 =	sshll.u32 s0, $0xA;
	s3 =	sshll.u32 s16, $0x9  }
0x4: {  	s2 =	rddreg [dreg:$0x0];
	s11 =	sor.u32 s3, s30  }
0x5: {  	s10 =	rddreg [dreg:$0x1];
	s3 =	simm.s32 $0x0;
	s4 =	sshrl.u32 s11, $0x3  }
0x6: {  	s5 =	simm.s32 $0x3;
	[smem:$0x7FF] =	sst s3;
	s4 =	sadd.s32 s4, s10  }
0x7: {  	s1 =	rddreg [dreg:$0x2];
	_ =	strace $0x8000004A;
	s4 =	sadd.s32 $0x1400, s4  }
0x8: {  	[tilespmem:s3], [sflag:$0x3] =	stream.linear.gather [hbm4b:s4+s3], $0x200, $0x38;
	[tilespmem:$0x8200] =	vst v63  }
0x9: {  	_ =	swait.ge [sflag:s5], $0x200  }
0xa: {  	[sflag:s5] =	ssyncset.done $0x0  }
0xb: {  	s6 =	simm.s32 $0x80;
	s7 =	simm.s32 $0x200;
	[sflag:s5] =	ssyncadd.s32 $0xFFFFFE00  }
0xc: {  	[tilespmem:s7], [sflag:$0x1] =	stream.indirect.gather [hbm4b:s2+s6], $0x80, s3, s6, $0xb8;
	[tilespmem:$0x8200] =	vst v63  }
0xd: {  	s8 =	simm.s32 $0x4200;
	s9 =	simm.s32 $0x1  }
0xe: {  	[tilespmem:s8], [sflag:$0x1] =	stream.indirect.gather [hbm4b:s2+s6], $0x80, s6, s6, $0xb8;
	[tilespmem:$0x8200] =	vst v63  }
0xf: {  	s11 =	sshll.u32 s11, $0x4;
	_ =	swait.ge [sflag:s9], $0x4000  }
0x10: {  	s17 =	sadd.s32 s11, s10;
	[sflag:s9] =	ssyncset.done $0x0  }
0x11: {  	s10 =	simm.s32 $0x2;
	s11 =	sadd.s32 $0x2400, s17;
	[sflag:s9] =	ssyncadd.s32 $0xFFFFC000  }
0x12: {  	[hbm4b:s11+s3] =	stream.linear.scatter [tilespmem:s7], [sflag:$0x2], $0x4000, $0x38;
	[tilespmem:$0x8200] =	vst v63  }
0x13: {  	_ =	swait.ge [sflag:s10], $0x4000  }
0x14: {  	[sflag:s10] =	ssyncset.done $0x0  }
0x15: {  	s12 =	simm.s32 $0x100;
	[sflag:s10] =	ssyncadd.s32 $0xFFFFC000  }
0x16: {  	[tilespmem:s7], [sflag:$0x1] =	stream.indirect.gather [hbm4b:s2+s6], $0x80, s12, s6, $0xb8;
	[tilespmem:$0x8200] =	vst v63  }
0x17: {  	_ =	swait.ge [sflag:s9], $0x4000  }
0x18: {  	[sflag:s9] =	ssyncset.done $0x0  }
0x19: {  	s13 =	sadd.s32 $0x2C00, s17;
	[sflag:s9] =	ssyncadd.s32 $0xFFFFC000  }
0x1a: {  	[hbm4b:s13+s3] =	stream.linear.scatter [tilespmem:s8], [sflag:$0x2], $0x4000, $0x38;
	[tilespmem:$0x8200] =	vst v63  }
0x1b: {  	_ =	swait.ge [sflag:s10], $0x4000  }
0x1c: {  	[sflag:s10] =	ssyncset.done $0x0  }
0x1d: {  	s14 =	simm.s32 $0x180;
	[sflag:s10] =	ssyncadd.s32 $0xFFFFC000  }
0x1e: {  	[tilespmem:s8], [sflag:$0x1] =	stream.indirect.gather [hbm4b:s2+s6], $0x80, s14, s6, $0xb8;
	[tilespmem:$0x8200] =	vst v63  }
0x1f: {  	_ =	swait.ge [sflag:s9], $0x4000  }
0x20: {  	s18 =	ssub.s32 $0x2, s16;
	[sflag:s9] =	ssyncset.done $0x0  }
0x21: {  	s31 =	sshrl.u32 s18, $0x1;
	s15 =	sadd.s32 $0x3400, s17;
	[sflag:s9] =	ssyncadd.s32 $0xFFFFC000  }
0x22: {  	[hbm4b:s15+s3] =	stream.linear.scatter [tilespmem:s7], [sflag:$0x2], $0x4000, $0x38;
	[tilespmem:$0x8200] =	vst v63  }
0x23: {  	s16 =	sadd.s32 $0x3C00, s17;
	s17 =	ssub.s32 s18, s31;
	_ =	swait.ge [sflag:s9], $0x4000  }
0x24: {  	s17 =	smax.u32 s17, $0x1;
	[sflag:s9] =	ssyncset.done $0x0  }
0x25: {  	p0 =	sne.s32 s17, $0x1;
	[sflag:s9] =	ssyncadd.s32 $0xFFFFC000  }
0x26: {  	[hbm4b:s16+s3] =	stream.linear.scatter [tilespmem:s8], [sflag:$0x2], $0x4000, $0x38;
	[tilespmem:$0x8200] =	vst v63  }
.Ltmp0:
0x27: {  	_ =	swait.ge [sflag:s10], $0x4000;
	(pc) =	sbr.rel @!p0 .LBB2_2-.Ltmp0, $4  }
0x28: {  	[sflag:s10] =	ssyncset.done $0x0  }
0x29: {  	[sflag:s10] =	ssyncadd.s32 $0xFFFFC000  }
0x2a: {  	_ =	swait.ge [sflag:s10], $0x4000  }
0x2b: {  	s17 =	sadd.s32 $0xFFFFFFFF, s17;
	[sflag:s10] =	ssyncset.done $0x0  }
.LBB2_1:
0x2c: {  	p0 =	sne.s32 s17, $0x1;
	s17 =	sadd.s32 $0xFFFFFFFF, s17;
	[sflag:s10] =	ssyncadd.s32 $0xFFFFC000  }
0x2d: {  	[tilespmem:s3], [sflag:$0x3] =	stream.linear.gather [hbm4b:s4+s3], $0x200, $0x38;
	[tilespmem:$0x8200] =	vst v63  }
0x2e: {  	_ =	swait.ge [sflag:s5], $0x200  }
0x2f: {  	[sflag:s5] =	ssyncset.done $0x0  }
0x30: {  	[sflag:s5] =	ssyncadd.s32 $0xFFFFFE00  }
0x31: {  	[tilespmem:s7], [sflag:$0x1] =	stream.indirect.gather [hbm4b:s2+s6], $0x80, s3, s6, $0xb8;
	[tilespmem:$0x8200] =	vst v63  }
0x32: {  	_ = 	snop  }
0x33: {  	[tilespmem:s8], [sflag:$0x1] =	stream.indirect.gather [hbm4b:s2+s6], $0x80, s6, s6, $0xb8;
	[tilespmem:$0x8200] =	vst v63  }
0x34: {  	_ =	swait.ge [sflag:s9], $0x4000  }
0x35: {  	[sflag:s9] =	ssyncset.done $0x0  }
0x36: {  	[sflag:s9] =	ssyncadd.s32 $0xFFFFC000  }
0x37: {  	[hbm4b:s11+s3] =	stream.linear.scatter [tilespmem:s7], [sflag:$0x2], $0x4000, $0x38;
	[tilespmem:$0x8200] =	vst v63  }
0x38: {  	_ =	swait.ge [sflag:s10], $0x4000  }
0x39: {  	[sflag:s10] =	ssyncset.done $0x0  }
0x3a: {  	[sflag:s10] =	ssyncadd.s32 $0xFFFFC000  }
0x3b: {  	[tilespmem:s7], [sflag:$0x1] =	stream.indirect.gather [hbm4b:s2+s6], $0x80, s12, s6, $0xb8;
	[tilespmem:$0x8200] =	vst v63  }
0x3c: {  	_ =	swait.ge [sflag:s9], $0x4000  }
0x3d: {  	[sflag:s9] =	ssyncset.done $0x0  }
0x3e: {  	[sflag:s9] =	ssyncadd.s32 $0xFFFFC000  }
0x3f: {  	[hbm4b:s13+s3] =	stream.linear.scatter [tilespmem:s8], [sflag:$0x2], $0x4000, $0x38;
	[tilespmem:$0x8200] =	vst v63  }
0x40: {  	_ =	swait.ge [sflag:s10], $0x4000  }
0x41: {  	[sflag:s10] =	ssyncset.done $0x0  }
0x42: {  	[sflag:s10] =	ssyncadd.s32 $0xFFFFC000  }
0x43: {  	[tilespmem:s8], [sflag:$0x1] =	stream.indirect.gather [hbm4b:s2+s6], $0x80, s14, s6, $0xb8;
	[tilespmem:$0x8200] =	vst v63  }
0x44: {  	_ =	swait.ge [sflag:s9], $0x4000  }
0x45: {  	[sflag:s9] =	ssyncset.done $0x0  }
0x46: {  	[sflag:s9] =	ssyncadd.s32 $0xFFFFC000  }
0x47: {  	[hbm4b:s15+s3] =	stream.linear.scatter [tilespmem:s7], [sflag:$0x2], $0x4000, $0x38;
	[tilespmem:$0x8200] =	vst v63  }
0x48: {  	_ =	swait.ge [sflag:s9], $0x4000  }
0x49: {  	[sflag:s9] =	ssyncset.done $0x0  }
0x4a: {  	[sflag:s9] =	ssyncadd.s32 $0xFFFFC000  }
0x4b: {  	[hbm4b:s16+s3] =	stream.linear.scatter [tilespmem:s8], [sflag:$0x2], $0x4000, $0x38;
	[tilespmem:$0x8200] =	vst v63  }
.Ltmp1:
0x4c: {  	_ =	swait.ge [sflag:s10], $0x4000;
	(pc) =	sbr.rel @p0 .LBB2_1-.Ltmp1, $4  }
0x4d: {  	[sflag:s10] =	ssyncset.done $0x0  }
0x4e: {  	[sflag:s10] =	ssyncadd.s32 $0xFFFFC000  }
0x4f: {  	_ =	swait.ge [sflag:s10], $0x4000  }
0x50: {  	[sflag:s10] =	ssyncset.done $0x0  }
.LBB2_2:
0x51: {  	[sflag:s10] =	ssyncadd.s32 $0xFFFFC000  }
0x52: {  	_ =	sfence.sel $0x180000  }
0x53: {  	[bflag:$0x0] =	sbarrier.arrive $0xFFFF  }
0x54: {  	p0 =	sne.s32 s0, $0x0;
	_ =	strace $0x9000004A  }
0x55: {  	s0 =	sadd.s32 @!p0 $0x100000, s1;
	[bflag:$0x2] =	sbarrier.arrive $0xFFFF  }
0x56: {  	[sflag:s0] =	ssyncadd.tile.s32 @!p0 $0x1;
	_ =	shalt  }
.Lfunc_end2:
_tile_overlayer_lowered:
.L_overlay_start_2:
0x57: {  	(tag) =	ssettag $0x2  }
0x58: {  	s0 =	rddreg [dreg:$0x0];
	s2 =	stileid.u32  }
0x59: {  	s1 =	rddreg [dreg:$0x1];
	p0 =	sne.s32 s2, $0x0  }
0x5a: {  	s3 =	rddreg [dreg:$0x2];
	[bflag:$0x3] =	sbarrier.arrive $0xFFFF;
	s2 =	simm.s32 @!p0 $0x1C03  }
0x5b: {  	[timem:s3], [sflag:s2] =	dma.local @!p0 [hbm:s0], s1  }
0x5c: {  	s0 =	simm.s32 @!p0 $0x3  }
0x5d: {  	_ =	swait.ge @!p0 [sflag:s0], s1  }
0x5e: {  	s1 =	ssub.s32 @!p0 $0x0, s1;
	[sflag:s0] =	ssyncset.done @!p0 $0x0  }
0x5f: {  	[sflag:s0] =	ssyncadd.s32 @!p0 s1  }
0x60: {  	[bflag:$0x3] =	sbarrier.arrive $0xFFFF  }
0x61: {  	_ =	shalt  }

</sc_bundles>
